<compile_context>
chip_gen: v7x
topology: tpu7x:2x2x1
jax: 0.10.2.dev20260603
libtpu: 0.0.44.dev20260713+nightly
codegen_flags: <defaults>
</compile_context>

<pallas_src>
import jax
import jax.numpy as jnp
import numpy as np
from jax import lax
from jax.experimental import pallas as pl
from jax.experimental.pallas import tpu as pltpu
from jax.experimental.pallas import tpu_sc as plsc

B, P, D = 4096, 2048, 32
M = B * P
FMIN = float(np.finfo(np.float32).min)
DN = (((1,), (0,)), ((), ()))


_NC = 2
_NS = 16
_NW = _NC * _NS
_ROWS_PER_W = B // _NW
_RW = P * 6


def _sc_gather_body(state_hbm, fci_hbm, w_hbm, fc_hbm,
                    rowbuf, orow, wrow, fcrow):
    c = lax.axis_index("c")
    s = lax.axis_index("s")
    wid = s * _NC + c
    base = wid * _ROWS_PER_W
    iota6 = lax.iota(jnp.int32, 16) * 6

    def row_fn(r, _):
        row = base + r
        pltpu.sync_copy(state_hbm.at[row], rowbuf)

        def col_fn(j, _):
            idx = iota6 + j * 96
            xv = plsc.load_gather(rowbuf, [idx])
            wv = plsc.load_gather(rowbuf, [idx + 1])
            fcv = plsc.load_gather(rowbuf, [idx + 2])
            xi = xv.astype(jnp.int32) * 6 + 2
            g = plsc.load_gather(rowbuf, [xi])
            orow[pl.ds(j * 16, 16)] = g
            wrow[pl.ds(j * 16, 16)] = wv
            fcrow[pl.ds(j * 16, 16)] = fcv
            return 0

        lax.fori_loop(0, P // 16, col_fn, 0)
        pltpu.sync_copy(orow, fci_hbm.at[row])
        pltpu.sync_copy(wrow, w_hbm.at[row])
        pltpu.sync_copy(fcrow, fc_hbm.at[row])
        return 0

    lax.fori_loop(0, _ROWS_PER_W, row_fn, 0)


def _sc_gather(state_flat):
    mesh = plsc.VectorSubcoreMesh(core_axis_name="c", subcore_axis_name="s")
    fn = pl.kernel(
        _sc_gather_body,
        mesh=mesh,
        out_type=[
            jax.ShapeDtypeStruct((B, P), jnp.float32),
            jax.ShapeDtypeStruct((B, P), jnp.float32),
            jax.ShapeDtypeStruct((B, P), jnp.float32),
        ],
        scratch_types=[
            pltpu.VMEM((_RW,), jnp.float32),
            pltpu.VMEM((P,), jnp.float32),
            pltpu.VMEM((P,), jnp.float32),
            pltpu.VMEM((P,), jnp.float32),
        ],
        compiler_params=pltpu.CompilerParams(needs_layout_passes=False),
    )
    return fn(state_flat)



_PK = 8
_RT = 2048
_MP = M // _PK


def _item_head_body(s_ref, f_ref, w1_ref, b1_ref, w2_ref, b2_ref, out_ref):
    s48 = s_ref[...]
    f8 = f_ref[...]
    pieces = []
    for j in range(_PK):
        pieces.append(s48[:, 6 * j + 1:6 * j + 2])
        pieces.append(f8[:, j:j + 1])
        pieces.append(s48[:, 6 * j + 3:6 * j + 6])
    s40 = jnp.concatenate(pieces, axis=1)
    G = lax.dot_general(s40, w1_ref[...], DN,
                        preferred_element_type=jnp.float32)
    h = jnp.maximum(G + b1_ref[...], 0.0)
    l = lax.dot_general(h, w2_ref[...], DN,
                        preferred_element_type=jnp.float32)
    out_ref[...] = l + b2_ref[...]


def _bin_head_body(s_ref, iw_ref, w1_ref, b1_ref, w2_ref, b2_ref, out_ref):
    s48 = s_ref[...]
    rid = lax.broadcasted_iota(jnp.int32, (_RT, 1), 0) // (_RT // _PK)
    iwc = jnp.full((_RT, 1), iw_ref[0, 0])
    for j in range(1, _PK):
        iwc = jnp.where(rid == j, iw_ref[j, 0], iwc)
    pieces = []
    for j in range(_PK):
        pieces.append(iwc)
        pieces.append(s48[:, 6 * j + 2:6 * j + 6])
    s40 = jnp.concatenate(pieces, axis=1)
    G = lax.dot_general(s40, w1_ref[...], DN,
                        preferred_element_type=jnp.float32)
    h = jnp.maximum(G + b1_ref[...], 0.0)
    l = lax.dot_general(h, w2_ref[...], DN,
                        preferred_element_type=jnp.float32)
    out_ref[...] = l + b2_ref[...]


def _packed_weights(W1, b1, W2):
    eye = jnp.eye(_PK, dtype=jnp.float32)
    return (jnp.kron(eye, W1), jnp.tile(b1.reshape(1, D), (1, _PK)),
            jnp.kron(eye, W2))


def _mlp_head_item(state48, fci8, W1, b1, W2, b2):
    w1p, b1p, w2p = _packed_weights(W1, b1, W2)
    out = pl.pallas_call(
        _item_head_body,
        grid=(_MP // _RT,),
        in_specs=[
            pl.BlockSpec((_RT, 48), lambda i: (i, 0)),
            pl.BlockSpec((_RT, _PK), lambda i: (i, 0)),
            pl.BlockSpec((5 * _PK, D * _PK), lambda i: (0, 0)),
            pl.BlockSpec((1, D * _PK), lambda i: (0, 0)),
            pl.BlockSpec((D * _PK, _PK), lambda i: (0, 0)),
            pl.BlockSpec((1, 1), lambda i: (0, 0)),
        ],
        out_specs=pl.BlockSpec((_RT, _PK), lambda i: (i, 0)),
        out_shape=jax.ShapeDtypeStruct((_MP, _PK), jnp.float32),
        compiler_params=pltpu.CompilerParams(
            dimension_semantics=("arbitrary",),
        ),
    )(state48, fci8, w1p, b1p, w2p, b2.reshape(1, 1))
    return out.reshape(B, P)


def _mlp_head_bin(state48, iw, W1, b1, W2, b2):
    w1p, b1p, w2p = _packed_weights(W1, b1, W2)
    out = pl.pallas_call(
        _bin_head_body,
        grid=(_MP // _RT,),
        in_specs=[
            pl.BlockSpec((_RT, 48), lambda i: (i, 0)),
            pl.BlockSpec((_PK, 1), lambda i: (i, 0)),
            pl.BlockSpec((5 * _PK, D * _PK), lambda i: (0, 0)),
            pl.BlockSpec((1, D * _PK), lambda i: (0, 0)),
            pl.BlockSpec((D * _PK, _PK), lambda i: (0, 0)),
            pl.BlockSpec((1, 1), lambda i: (0, 0)),
        ],
        out_specs=pl.BlockSpec((_RT, _PK), lambda i: (i, 0)),
        out_shape=jax.ShapeDtypeStruct((_MP, _PK), jnp.float32),
        compiler_params=pltpu.CompilerParams(
            dimension_semantics=("arbitrary",),
        ),
    )(state48, iw, w1p, b1p, w2p, b2.reshape(1, 1))
    return out.reshape(B, P)



_BT = 128


def _item_sel_body(l_ref, w_ref, item_ref, lp_ref, iw_ref):
    l = l_ref[...]
    m = jnp.max(l, axis=-1, keepdims=True)
    ex = jnp.exp(l - m)
    s = jnp.sum(ex, axis=-1, keepdims=True)
    probs = ex / s
    pm = jnp.max(probs, axis=-1, keepdims=True)
    iota = lax.broadcasted_iota(jnp.int32, l.shape, 1)
    item = jnp.min(jnp.where(probs == pm, iota, P), axis=-1, keepdims=True)
    item_ref[...] = item
    lp_ref[...] = jnp.log(pm)
    iw_ref[...] = jnp.sum(jnp.where(iota == item, w_ref[...], 0.0),
                          axis=-1, keepdims=True)


def _item_select(l_item, wplane):
    return pl.pallas_call(
        _item_sel_body,
        grid=(B // _BT,),
        in_specs=[
            pl.BlockSpec((_BT, P), lambda i: (i, 0)),
            pl.BlockSpec((_BT, P), lambda i: (i, 0)),
        ],
        out_specs=[
            pl.BlockSpec((_BT, 1), lambda i: (i, 0)),
            pl.BlockSpec((_BT, 1), lambda i: (i, 0)),
            pl.BlockSpec((_BT, 1), lambda i: (i, 0)),
        ],
        out_shape=[
            jax.ShapeDtypeStruct((B, 1), jnp.int32),
            jax.ShapeDtypeStruct((B, 1), jnp.float32),
            jax.ShapeDtypeStruct((B, 1), jnp.float32),
        ],
        compiler_params=pltpu.CompilerParams(
            dimension_semantics=("arbitrary",),
        ),
    )(l_item, wplane)


def _bin_sel_body(l_ref, fc_ref, item_ref, iw_ref, lpi_ref, act_ref, lp_ref):
    l = l_ref[...]
    fc = fc_ref[...]
    iw = iw_ref[...]
    item = item_ref[...]
    iota = lax.broadcasted_iota(jnp.int32, l.shape, 1)
    over = jnp.where(iw - fc > 0.0, FMIN, 0.0)
    mask = jnp.where(iota == item, FMIN, over)
    lm = l + mask
    m = jnp.max(lm, axis=-1, keepdims=True)
    ex = jnp.exp(lm - m)
    s = jnp.sum(ex, axis=-1, keepdims=True)
    probs = ex / s
    pm = jnp.max(probs, axis=-1, keepdims=True)
    bin_ = jnp.min(jnp.where(probs == pm, iota, P), axis=-1, keepdims=True)
    act_ref[...] = jnp.concatenate([item, bin_], axis=1)
    lp_ref[...] = lpi_ref[...] + jnp.log(pm)


def _bin_select(l_bin, fcplane, item, iw, lp_i):
    return pl.pallas_call(
        _bin_sel_body,
        grid=(B // _BT,),
        in_specs=[
            pl.BlockSpec((_BT, P), lambda i: (i, 0)),
            pl.BlockSpec((_BT, P), lambda i: (i, 0)),
            pl.BlockSpec((_BT, 1), lambda i: (i, 0)),
            pl.BlockSpec((_BT, 1), lambda i: (i, 0)),
            pl.BlockSpec((_BT, 1), lambda i: (i, 0)),
        ],
        out_specs=[
            pl.BlockSpec((_BT, 2), lambda i: (i, 0)),
            pl.BlockSpec((_BT, 1), lambda i: (i, 0)),
        ],
        out_shape=[
            jax.ShapeDtypeStruct((B, 2), jnp.int32),
            jax.ShapeDtypeStruct((B, 1), jnp.float32),
        ],
        compiler_params=pltpu.CompilerParams(
            dimension_semantics=("arbitrary",),
        ),
    )(l_bin, fcplane, item, iw, lp_i)


def kernel(state, W1i, b1i, W2i, b2i, W1b, b1b, W2b, b2b, greedy=1):
    state_flat = state.reshape(B, P * 6)
    fci, wpl, fcpl = _sc_gather(state_flat)
    state48 = state.reshape(_MP, 48)
    l_item = _mlp_head_item(state48, fci.reshape(_MP, _PK),
                            W1i, b1i, W2i, b2i)
    item, lp_i, iw = _item_select(l_item, wpl)
    l_bin = _mlp_head_bin(state48, iw, W1b, b1b, W2b, b2b)
    action, lp = _bin_select(l_bin, fcpl, item, iw, lp_i)
    return action, lp

# --- scband reference (transcript-rebuilt; emitter-appended) ---
"""Pipeline reference for scband-bin-packing-actor-rlbsa-2619930050644 (READ-ONLY COPY).

The authoritative reference and input builder live on the scoring server;
editing this copy changes nothing except your own understanding.
"""

import jax, jax.numpy as jnp
import numpy as np

B, P, D = 4096, 2048, 32


def _xavier(key, fan_in, fan_out):
    s = float(np.sqrt(6.0 / (fan_in + fan_out)))
    return jax.random.uniform(key, (fan_in, fan_out), minval=-s, maxval=s, dtype=jnp.float32)


def setup_inputs(seed: int = 0) -> dict:
    key = jax.random.key(seed)
    ks = jax.random.split(key, 12)
    # state features: [x (bin assignment), w, free_capacity, E, dE, T]
    x = jax.random.randint(ks[0], (B, P), 0, P).astype(jnp.float32)
    weights = jax.random.uniform(ks[1], (B, P), dtype=jnp.float32)
    free_capacity = jax.random.uniform(ks[2], (B, P), dtype=jnp.float32)
    E = jax.random.normal(ks[3], (B, P), dtype=jnp.float32)
    dE = jax.random.normal(ks[4], (B, P), dtype=jnp.float32)
    temp = jax.random.uniform(ks[5], (B, P), dtype=jnp.float32)
    state = jnp.stack([x, weights, free_capacity, E, dE, temp], axis=-1)
    W1i = _xavier(ks[6], 5, D)
    b1i = jnp.full((D,), 0.01, dtype=jnp.float32)
    W2i = _xavier(ks[7], D, 1)
    b2i = jnp.full((1,), 0.01, dtype=jnp.float32)
    W1b = _xavier(ks[8], 5, D)
    b1b = jnp.full((D,), 0.01, dtype=jnp.float32)
    W2b = _xavier(ks[9], D, 1)
    b2b = jnp.full((1,), 0.01, dtype=jnp.float32)
    return {"state": state, "W1i": W1i, "b1i": b1i, "W2i": W2i, "b2i": b2i,
            "W1b": W1b, "b1b": b1b, "W2b": W2b, "b2b": b2b, "greedy": 1}


def _mlp(s, W1, b1, W2, b2):
    h = jax.nn.relu(jnp.einsum('bpf,fd->bpd', s, W1) + b1)
    return (jnp.einsum('bpd,do->bpo', h, W2) + b2)[..., 0]


def reference(state, W1i, b1i, W2i, b2i, W1b, b1b, W2b, b2b, greedy=1):
    n, p, f = state.shape
    x = state[..., 0]
    weights = state[..., 1]
    free_capacity = state[..., 2]
    E = state[..., 3]
    dE = state[..., 4]
    temp = state[..., 5]
    xi = jax.lax.stop_gradient(x).astype(jnp.int32)
    fci = jnp.take_along_axis(free_capacity, xi, axis=1)
    item_state = jnp.stack([weights, fci, E, dE, temp], axis=-1)
    item_logits = _mlp(item_state, W1i, b1i, W2i, b2i)
    probs_i = jax.nn.softmax(item_logits, axis=-1)
    item = jnp.argmax(probs_i, axis=-1)  # greedy sampling
    lp_i = jnp.log(jnp.take_along_axis(probs_i, item[:, None], axis=1))
    iw = jnp.take_along_axis(weights, item[:, None], axis=1)
    item_weight = jnp.broadcast_to(iw, (n, p))
    bin_state = jnp.stack([item_weight, free_capacity, E, dE, temp], axis=-1)
    fmin = jnp.finfo(jnp.float32).min
    oversized = jnp.where(item_weight - free_capacity > 0, fmin, 0.0)
    mask = oversized.at[jnp.arange(n), item].set(fmin)
    bin_logits = _mlp(bin_state, W1b, b1b, W2b, b2b)
    probs_b = jax.nn.softmax(bin_logits + mask, axis=-1)
    bin_ = jnp.argmax(probs_b, axis=-1)  # greedy sampling
    lp_b = jnp.log(jnp.take_along_axis(probs_b, bin_[:, None], axis=1))
    action = jnp.concatenate([item[:, None], bin_[:, None]], axis=-1)
    return action, lp_i + lp_b

if __name__ == "__main__":
    import jax
    _d = setup_inputs()
    print(jax.jit(kernel)(*tuple(_d.values())))

</pallas_src>

<mosaic_0001>
#map = affine_map<(d0, d1) -> (0, 0)>
module attributes {stable_mosaic.version = 14 : i64} {
  func.func @_sc_gather_body(%arg0: i32, %arg1: i32, %arg2: memref<4096x12288xf32, #tpu.memory_space<hbm>>, %arg3: memref<4096x2048xf32, #tpu.memory_space<hbm>>, %arg4: memref<4096x2048xf32, #tpu.memory_space<hbm>>, %arg5: memref<4096x2048xf32, #tpu.memory_space<hbm>>, %arg6: memref<12288xf32, #tpu.memory_space<vmem>>, %arg7: memref<2048xf32, #tpu.memory_space<vmem>>, %arg8: memref<2048xf32, #tpu.memory_space<vmem>>, %arg9: memref<2048xf32, #tpu.memory_space<vmem>>) attributes {dimension_semantics = [#tpu.dimension_semantics<core_parallel>, #tpu.dimension_semantics<subcore_parallel>], iteration_bounds = array<i64: 2, 16>, scalar_prefetch = 0 : i64, scratch_operands = 4 : i64, tpu.core_type = #tpu.core_type<sc_vector_subcore>, window_params = [{transform_indices = #map}, {transform_indices = #map}, {transform_indices = #map}, {transform_indices = #map}]} {
    %mul3A = arith.constant 2 : i32
    %mul3A_0 = arith.muli %arg1, %mul3A : i32
    %add3A = arith.addi %mul3A_0, %arg0 : i32
    %mul3A_1 = arith.constant 128 : i32
    %mul3A_2 = arith.muli %add3A, %mul3A_1 : i32
    %iota3A = tpu.iota {dimensions = array<i32: 0>} : vector<16xi32>
    %mul3A_3 = arith.constant 6 : i32
    %mul3A_4 = vector.broadcast %mul3A_3 : i32 to vector<16xi32>
    %mul3A_5 = arith.muli %iota3A, %mul3A_4 : vector<16xi32>
    %scan3A = arith.constant 0 : i32
    %scan3A_6 = arith.constant 0 : i32
    %scan3A_7 = arith.constant 128 : i32
    %scan3A_8 = arith.addi %scan3A_6, %scan3A_7 : i32
    %scan3A_9 = arith.constant 1 : i32
    %scan3A_10 = scf.for %scan3A_12 = %scan3A_6 to %scan3A_8 step %scan3A_9 iter_args(%scan3A_13 = %scan3A) -> (i32)  : i32 {
      %add3A_14 = arith.addi %mul3A_2, %scan3A_12 : i32
      "tpu.region"() ({
        %run_scoped3A = tpu.sem_alloc : memref<!tpu.dma_semaphore, #tpu.memory_space<semaphore_mem>>
        %dma_start3A = arith.constant 0 : i32
        %dma_start3A_23 = tpu.memref_slice %arg2[%add3A_14, %dma_start3A] : memref<4096x12288xf32, #tpu.memory_space<hbm>> -> memref<1x12288xf32, #tpu.memory_space<hbm>>
        %dma_start3A_24 = tpu.memref_squeeze %dma_start3A_23 : memref<1x12288xf32, #tpu.memory_space<hbm>> -> memref<12288xf32, #tpu.memory_space<hbm>>
        %dma_start3A_25 = arith.constant 0 : i32
        %dma_start3A_26 = tpu.memref_slice %arg2[%add3A_14, %dma_start3A_25] : memref<4096x12288xf32, #tpu.memory_space<hbm>> -> memref<1x12288xf32, #tpu.memory_space<hbm>>
        %dma_start3A_27 = tpu.memref_squeeze %dma_start3A_26 : memref<1x12288xf32, #tpu.memory_space<hbm>> -> memref<12288xf32, #tpu.memory_space<hbm>>
        tpu.enqueue_dma source(%dma_start3A_27 : memref<12288xf32, #tpu.memory_space<hbm>>) target(%arg6 : memref<12288xf32, #tpu.memory_space<vmem>>) target_semaphore(%run_scoped3A : memref<!tpu.dma_semaphore, #tpu.memory_space<semaphore_mem>>)
        %dma_wait3A = arith.constant 0 : i32
        %dma_wait3A_28 = tpu.memref_slice %arg2[%add3A_14, %dma_wait3A] : memref<4096x12288xf32, #tpu.memory_space<hbm>> -> memref<1x12288xf32, #tpu.memory_space<hbm>>
        %dma_wait3A_29 = tpu.memref_squeeze %dma_wait3A_28 : memref<1x12288xf32, #tpu.memory_space<hbm>> -> memref<12288xf32, #tpu.memory_space<hbm>>
        %dma_wait3A_30 = arith.constant 0 : i32
        %dma_wait3A_31 = tpu.memref_slice %arg2[%add3A_14, %dma_wait3A_30] : memref<4096x12288xf32, #tpu.memory_space<hbm>> -> memref<1x12288xf32, #tpu.memory_space<hbm>>
        %dma_wait3A_32 = tpu.memref_squeeze %dma_wait3A_31 : memref<1x12288xf32, #tpu.memory_space<hbm>> -> memref<12288xf32, #tpu.memory_space<hbm>>
        tpu.wait_dma2 semaphore(%run_scoped3A : memref<!tpu.dma_semaphore, #tpu.memory_space<semaphore_mem>>) src(%dma_wait3A_32 : memref<12288xf32, #tpu.memory_space<hbm>>) dst(%arg6 : memref<12288xf32, #tpu.memory_space<vmem>>)
        tpu.yield
      }) : () -> ()
      %scan3A_15 = arith.constant 0 : i32
      %scan3A_16 = arith.constant 0 : i32
      %scan3A_17 = arith.constant 128 : i32
      %scan3A_18 = arith.addi %scan3A_16, %scan3A_17 : i32
      %scan3A_19 = arith.constant 1 : i32
      %scan3A_20 = scf.for %scan3A_23 = %scan3A_16 to %scan3A_18 step %scan3A_19 iter_args(%scan3A_24 = %scan3A_15) -> (i32)  : i32 {
        %mul3A_25 = arith.constant 96 : i32
        %mul3A_26 = arith.muli %scan3A_23, %mul3A_25 : i32
        %add3A_27 = vector.broadcast %mul3A_26 : i32 to vector<16xi32>
        %add3A_28 = arith.addi %mul3A_5, %add3A_27 : vector<16xi32>
        %gather3A = tpu.vector_load_idx %arg6[%add3A_28] : memref<12288xf32, #tpu.memory_space<vmem>>[vector<16xi32>], vector<16xf32>,
        %add3A_29 = arith.constant 1 : i32
        %add3A_30 = vector.broadcast %add3A_29 : i32 to vector<16xi32>
        %add3A_31 = arith.addi %add3A_28, %add3A_30 : vector<16xi32>
        %gather3A_32 = tpu.vector_load_idx %arg6[%add3A_31] : memref<12288xf32, #tpu.memory_space<vmem>>[vector<16xi32>], vector<16xf32>,
        %add3A_33 = arith.constant 2 : i32
        %add3A_34 = vector.broadcast %add3A_33 : i32 to vector<16xi32>
        %add3A_35 = arith.addi %add3A_28, %add3A_34 : vector<16xi32>
        %gather3A_36 = tpu.vector_load_idx %arg6[%add3A_35] : memref<12288xf32, #tpu.memory_space<vmem>>[vector<16xi32>], vector<16xf32>,
        %convert_element_type3A = arith.fptosi %gather3A : vector<16xf32> to vector<16xi32>
        %mul3A_37 = arith.constant 6 : i32
        %mul3A_38 = vector.broadcast %mul3A_37 : i32 to vector<16xi32>
        %mul3A_39 = arith.muli %convert_element_type3A, %mul3A_38 : vector<16xi32>
        %add3A_40 = arith.constant 2 : i32
        %add3A_41 = vector.broadcast %add3A_40 : i32 to vector<16xi32>
        %add3A_42 = arith.addi %mul3A_39, %add3A_41 : vector<16xi32>
        %gather3A_43 = tpu.vector_load_idx %arg6[%add3A_42] : memref<12288xf32, #tpu.memory_space<vmem>>[vector<16xi32>], vector<16xf32>,
        %mul3A_44 = arith.constant 16 : i32
        %mul3A_45 = arith.muli %scan3A_23, %mul3A_44 : i32
        %swap3A = arith.index_cast %mul3A_45 : i32 to index
        %swap3A_46 = tpu.vector_load %arg7[%swap3A] {strides = array<i32>} : memref<2048xf32, #tpu.memory_space<vmem>>, vector<16xf32>,
        tpu.vector_store %arg7[%swap3A], %gather3A_43 {strides = array<i32>} : memref<2048xf32, #tpu.memory_space<vmem>>, vector<16xf32>,
        %mul3A_47 = arith.constant 16 : i32
        %mul3A_48 = arith.muli %scan3A_23, %mul3A_47 : i32
        %swap3A_49 = arith.index_cast %mul3A_48 : i32 to index
        %swap3A_50 = tpu.vector_load %arg8[%swap3A_49] {strides = array<i32>} : memref<2048xf32, #tpu.memory_space<vmem>>, vector<16xf32>,
        tpu.vector_store %arg8[%swap3A_49], %gather3A_32 {strides = array<i32>} : memref<2048xf32, #tpu.memory_space<vmem>>, vector<16xf32>,
        %mul3A_51 = arith.constant 16 : i32
        %mul3A_52 = arith.muli %scan3A_23, %mul3A_51 : i32
        %swap3A_53 = arith.index_cast %mul3A_52 : i32 to index
        %swap3A_54 = tpu.vector_load %arg9[%swap3A_53] {strides = array<i32>} : memref<2048xf32, #tpu.memory_space<vmem>>, vector<16xf32>,
        tpu.vector_store %arg9[%swap3A_53], %gather3A_36 {strides = array<i32>} : memref<2048xf32, #tpu.memory_space<vmem>>, vector<16xf32>,
        %scan3A_55 = arith.constant 0 : i32
        scf.yield %scan3A_55 : i32
      }
      %scan3A_21 = arith.constant 128 : i32
      "tpu.region"() ({
        %run_scoped3A = tpu.sem_alloc : memref<!tpu.dma_semaphore, #tpu.memory_space<semaphore_mem>>
        %dma_start3A = arith.constant 0 : i32
        %dma_start3A_23 = tpu.memref_slice %arg3[%add3A_14, %dma_start3A] : memref<4096x2048xf32, #tpu.memory_space<hbm>> -> memref<1x2048xf32, #tpu.memory_space<hbm>>
        %dma_start3A_24 = tpu.memref_squeeze %dma_start3A_23 : memref<1x2048xf32, #tpu.memory_space<hbm>> -> memref<2048xf32, #tpu.memory_space<hbm>>
        %dma_start3A_25 = arith.constant 0 : i32
        %dma_start3A_26 = tpu.memref_slice %arg3[%add3A_14, %dma_start3A_25] : memref<4096x2048xf32, #tpu.memory_space<hbm>> -> memref<1x2048xf32, #tpu.memory_space<hbm>>
        %dma_start3A_27 = tpu.memref_squeeze %dma_start3A_26 : memref<1x2048xf32, #tpu.memory_space<hbm>> -> memref<2048xf32, #tpu.memory_space<hbm>>
        tpu.enqueue_dma source(%arg7 : memref<2048xf32, #tpu.memory_space<vmem>>) target(%dma_start3A_27 : memref<2048xf32, #tpu.memory_space<hbm>>) target_semaphore(%run_scoped3A : memref<!tpu.dma_semaphore, #tpu.memory_space<semaphore_mem>>)
        %dma_wait3A = arith.constant 0 : i32
        %dma_wait3A_28 = tpu.memref_slice %arg3[%add3A_14, %dma_wait3A] : memref<4096x2048xf32, #tpu.memory_space<hbm>> -> memref<1x2048xf32, #tpu.memory_space<hbm>>
        %dma_wait3A_29 = tpu.memref_squeeze %dma_wait3A_28 : memref<1x2048xf32, #tpu.memory_space<hbm>> -> memref<2048xf32, #tpu.memory_space<hbm>>
        %dma_wait3A_30 = arith.constant 0 : i32
        %dma_wait3A_31 = tpu.memref_slice %arg3[%add3A_14, %dma_wait3A_30] : memref<4096x2048xf32, #tpu.memory_space<hbm>> -> memref<1x2048xf32, #tpu.memory_space<hbm>>
        %dma_wait3A_32 = tpu.memref_squeeze %dma_wait3A_31 : memref<1x2048xf32, #tpu.memory_space<hbm>> -> memref<2048xf32, #tpu.memory_space<hbm>>
        tpu.wait_dma2 semaphore(%run_scoped3A : memref<!tpu.dma_semaphore, #tpu.memory_space<semaphore_mem>>) src(%arg7 : memref<2048xf32, #tpu.memory_space<vmem>>) dst(%dma_wait3A_32 : memref<2048xf32, #tpu.memory_space<hbm>>)
        tpu.yield
      }) : () -> ()
      "tpu.region"() ({
        %run_scoped3A = tpu.sem_alloc : memref<!tpu.dma_semaphore, #tpu.memory_space<semaphore_mem>>
        %dma_start3A = arith.constant 0 : i32
        %dma_start3A_23 = tpu.memref_slice %arg4[%add3A_14, %dma_start3A] : memref<4096x2048xf32, #tpu.memory_space<hbm>> -> memref<1x2048xf32, #tpu.memory_space<hbm>>
        %dma_start3A_24 = tpu.memref_squeeze %dma_start3A_23 : memref<1x2048xf32, #tpu.memory_space<hbm>> -> memref<2048xf32, #tpu.memory_space<hbm>>
        %dma_start3A_25 = arith.constant 0 : i32
        %dma_start3A_26 = tpu.memref_slice %arg4[%add3A_14, %dma_start3A_25] : memref<4096x2048xf32, #tpu.memory_space<hbm>> -> memref<1x2048xf32, #tpu.memory_space<hbm>>
        %dma_start3A_27 = tpu.memref_squeeze %dma_start3A_26 : memref<1x2048xf32, #tpu.memory_space<hbm>> -> memref<2048xf32, #tpu.memory_space<hbm>>
        tpu.enqueue_dma source(%arg8 : memref<2048xf32, #tpu.memory_space<vmem>>) target(%dma_start3A_27 : memref<2048xf32, #tpu.memory_space<hbm>>) target_semaphore(%run_scoped3A : memref<!tpu.dma_semaphore, #tpu.memory_space<semaphore_mem>>)
        %dma_wait3A = arith.constant 0 : i32
        %dma_wait3A_28 = tpu.memref_slice %arg4[%add3A_14, %dma_wait3A] : memref<4096x2048xf32, #tpu.memory_space<hbm>> -> memref<1x2048xf32, #tpu.memory_space<hbm>>
        %dma_wait3A_29 = tpu.memref_squeeze %dma_wait3A_28 : memref<1x2048xf32, #tpu.memory_space<hbm>> -> memref<2048xf32, #tpu.memory_space<hbm>>
        %dma_wait3A_30 = arith.constant 0 : i32
        %dma_wait3A_31 = tpu.memref_slice %arg4[%add3A_14, %dma_wait3A_30] : memref<4096x2048xf32, #tpu.memory_space<hbm>> -> memref<1x2048xf32, #tpu.memory_space<hbm>>
        %dma_wait3A_32 = tpu.memref_squeeze %dma_wait3A_31 : memref<1x2048xf32, #tpu.memory_space<hbm>> -> memref<2048xf32, #tpu.memory_space<hbm>>
        tpu.wait_dma2 semaphore(%run_scoped3A : memref<!tpu.dma_semaphore, #tpu.memory_space<semaphore_mem>>) src(%arg8 : memref<2048xf32, #tpu.memory_space<vmem>>) dst(%dma_wait3A_32 : memref<2048xf32, #tpu.memory_space<hbm>>)
        tpu.yield
      }) : () -> ()
      "tpu.region"() ({
        %run_scoped3A = tpu.sem_alloc : memref<!tpu.dma_semaphore, #tpu.memory_space<semaphore_mem>>
        %dma_start3A = arith.constant 0 : i32
        %dma_start3A_23 = tpu.memref_slice %arg5[%add3A_14, %dma_start3A] : memref<4096x2048xf32, #tpu.memory_space<hbm>> -> memref<1x2048xf32, #tpu.memory_space<hbm>>
        %dma_start3A_24 = tpu.memref_squeeze %dma_start3A_23 : memref<1x2048xf32, #tpu.memory_space<hbm>> -> memref<2048xf32, #tpu.memory_space<hbm>>
        %dma_start3A_25 = arith.constant 0 : i32
        %dma_start3A_26 = tpu.memref_slice %arg5[%add3A_14, %dma_start3A_25] : memref<4096x2048xf32, #tpu.memory_space<hbm>> -> memref<1x2048xf32, #tpu.memory_space<hbm>>
        %dma_start3A_27 = tpu.memref_squeeze %dma_start3A_26 : memref<1x2048xf32, #tpu.memory_space<hbm>> -> memref<2048xf32, #tpu.memory_space<hbm>>
        tpu.enqueue_dma source(%arg9 : memref<2048xf32, #tpu.memory_space<vmem>>) target(%dma_start3A_27 : memref<2048xf32, #tpu.memory_space<hbm>>) target_semaphore(%run_scoped3A : memref<!tpu.dma_semaphore, #tpu.memory_space<semaphore_mem>>)
        %dma_wait3A = arith.constant 0 : i32
        %dma_wait3A_28 = tpu.memref_slice %arg5[%add3A_14, %dma_wait3A] : memref<4096x2048xf32, #tpu.memory_space<hbm>> -> memref<1x2048xf32, #tpu.memory_space<hbm>>
        %dma_wait3A_29 = tpu.memref_squeeze %dma_wait3A_28 : memref<1x2048xf32, #tpu.memory_space<hbm>> -> memref<2048xf32, #tpu.memory_space<hbm>>
        %dma_wait3A_30 = arith.constant 0 : i32
        %dma_wait3A_31 = tpu.memref_slice %arg5[%add3A_14, %dma_wait3A_30] : memref<4096x2048xf32, #tpu.memory_space<hbm>> -> memref<1x2048xf32, #tpu.memory_space<hbm>>
        %dma_wait3A_32 = tpu.memref_squeeze %dma_wait3A_31 : memref<1x2048xf32, #tpu.memory_space<hbm>> -> memref<2048xf32, #tpu.memory_space<hbm>>
        tpu.wait_dma2 semaphore(%run_scoped3A : memref<!tpu.dma_semaphore, #tpu.memory_space<semaphore_mem>>) src(%arg9 : memref<2048xf32, #tpu.memory_space<vmem>>) dst(%dma_wait3A_32 : memref<2048xf32, #tpu.memory_space<hbm>>)
        tpu.yield
      }) : () -> ()
      %scan3A_22 = arith.constant 0 : i32
      scf.yield %scan3A_22 : i32
    }
    %scan3A_11 = arith.constant 128 : i32
    return
  }
}

module attributes {stable_mosaic.version = 14 : i64} {
  func.func @_item_head_body(%arg0: i32, %arg1: memref<2048x48xf32, #tpu.memory_space<vmem>>, %arg2: memref<2048x8xf32, #tpu.memory_space<vmem>>, %arg3: memref<40x256xf32, #tpu.memory_space<vmem>>, %arg4: memref<1x256xf32, #tpu.memory_space<vmem>>, %arg5: memref<256x8xf32, #tpu.memory_space<vmem>>, %arg6: memref<1x1xf32, #tpu.memory_space<vmem>>, %arg7: memref<2048x8xf32, #tpu.memory_space<vmem>>) attributes {dimension_semantics = [#tpu.dimension_semantics<arbitrary>], iteration_bounds = array<i64: 512>, scalar_prefetch = 0 : i64, scratch_operands = 0 : i64, tpu.core_type = #tpu.core_type<tc>, window_params = [{transform_indices = @transform_0, window_bounds = array<i64: 2048, 48>}, {transform_indices = @transform_1, window_bounds = array<i64: 2048, 8>}, {pipeline_mode = #tpu.pipeline_mode<synchronous>, transform_indices = @transform_2, window_bounds = array<i64: 40, 256>}, {pipeline_mode = #tpu.pipeline_mode<synchronous>, transform_indices = @transform_3, window_bounds = array<i64: 1, 256>}, {pipeline_mode = #tpu.pipeline_mode<synchronous>, transform_indices = @transform_4, window_bounds = array<i64: 256, 8>}, {pipeline_mode = #tpu.pipeline_mode<synchronous>, transform_indices = @transform_5, window_bounds = array<i64: 1, 1>}, {transform_indices = @transform_6, window_bounds = array<i64: 2048, 8>}]} {
    %get3A = arith.constant 0 : index
    %get3A_0 = arith.constant 0 : index
    %get3A_1 = vector.load %arg1[%get3A, %get3A_0] : memref<2048x48xf32, #tpu.memory_space<vmem>>, vector<2048x48xf32>
    %get3A_2 = arith.constant 0 : index
    %get3A_3 = arith.constant 0 : index
    %get3A_4 = vector.load %arg2[%get3A_2, %get3A_3] : memref<2048x8xf32, #tpu.memory_space<vmem>>, vector<2048x8xf32>
    %slice3A = vector.extract_strided_slice %get3A_1 {offsets = [0, 1], sizes = [2048, 1], strides = [1, 1]} : vector<2048x48xf32> to vector<2048x1xf32>
    %slice3A_5 = vector.extract_strided_slice %get3A_4 {offsets = [0, 0], sizes = [2048, 1], strides = [1, 1]} : vector<2048x8xf32> to vector<2048x1xf32>
    %slice3A_6 = vector.extract_strided_slice %get3A_1 {offsets = [0, 3], sizes = [2048, 3], strides = [1, 1]} : vector<2048x48xf32> to vector<2048x3xf32>
    %slice3A_7 = vector.extract_strided_slice %get3A_1 {offsets = [0, 7], sizes = [2048, 1], strides = [1, 1]} : vector<2048x48xf32> to vector<2048x1xf32>
    %slice3A_8 = vector.extract_strided_slice %get3A_4 {offsets = [0, 1], sizes = [2048, 1], strides = [1, 1]} : vector<2048x8xf32> to vector<2048x1xf32>
    %slice3A_9 = vector.extract_strided_slice %get3A_1 {offsets = [0, 9], sizes = [2048, 3], strides = [1, 1]} : vector<2048x48xf32> to vector<2048x3xf32>
    %slice3A_10 = vector.extract_strided_slice %get3A_1 {offsets = [0, 13], sizes = [2048, 1], strides = [1, 1]} : vector<2048x48xf32> to vector<2048x1xf32>
    %slice3A_11 = vector.extract_strided_slice %get3A_4 {offsets = [0, 2], sizes = [2048, 1], strides = [1, 1]} : vector<2048x8xf32> to vector<2048x1xf32>
    %slice3A_12 = vector.extract_strided_slice %get3A_1 {offsets = [0, 15], sizes = [2048, 3], strides = [1, 1]} : vector<2048x48xf32> to vector<2048x3xf32>
    %slice3A_13 = vector.extract_strided_slice %get3A_1 {offsets = [0, 19], sizes = [2048, 1], strides = [1, 1]} : vector<2048x48xf32> to vector<2048x1xf32>
    %slice3A_14 = vector.extract_strided_slice %get3A_4 {offsets = [0, 3], sizes = [2048, 1], strides = [1, 1]} : vector<2048x8xf32> to vector<2048x1xf32>
    %slice3A_15 = vector.extract_strided_slice %get3A_1 {offsets = [0, 21], sizes = [2048, 3], strides = [1, 1]} : vector<2048x48xf32> to vector<2048x3xf32>
    %slice3A_16 = vector.extract_strided_slice %get3A_1 {offsets = [0, 25], sizes = [2048, 1], strides = [1, 1]} : vector<2048x48xf32> to vector<2048x1xf32>
    %slice3A_17 = vector.extract_strided_slice %get3A_4 {offsets = [0, 4], sizes = [2048, 1], strides = [1, 1]} : vector<2048x8xf32> to vector<2048x1xf32>
    %slice3A_18 = vector.extract_strided_slice %get3A_1 {offsets = [0, 27], sizes = [2048, 3], strides = [1, 1]} : vector<2048x48xf32> to vector<2048x3xf32>
    %slice3A_19 = vector.extract_strided_slice %get3A_1 {offsets = [0, 31], sizes = [2048, 1], strides = [1, 1]} : vector<2048x48xf32> to vector<2048x1xf32>
    %slice3A_20 = vector.extract_strided_slice %get3A_4 {offsets = [0, 5], sizes = [2048, 1], strides = [1, 1]} : vector<2048x8xf32> to vector<2048x1xf32>
    %slice3A_21 = vector.extract_strided_slice %get3A_1 {offsets = [0, 33], sizes = [2048, 3], strides = [1, 1]} : vector<2048x48xf32> to vector<2048x3xf32>
    %slice3A_22 = vector.extract_strided_slice %get3A_1 {offsets = [0, 37], sizes = [2048, 1], strides = [1, 1]} : vector<2048x48xf32> to vector<2048x1xf32>
    %slice3A_23 = vector.extract_strided_slice %get3A_4 {offsets = [0, 6], sizes = [2048, 1], strides = [1, 1]} : vector<2048x8xf32> to vector<2048x1xf32>
    %slice3A_24 = vector.extract_strided_slice %get3A_1 {offsets = [0, 39], sizes = [2048, 3], strides = [1, 1]} : vector<2048x48xf32> to vector<2048x3xf32>
    %slice3A_25 = vector.extract_strided_slice %get3A_1 {offsets = [0, 43], sizes = [2048, 1], strides = [1, 1]} : vector<2048x48xf32> to vector<2048x1xf32>
    %slice3A_26 = vector.extract_strided_slice %get3A_4 {offsets = [0, 7], sizes = [2048, 1], strides = [1, 1]} : vector<2048x8xf32> to vector<2048x1xf32>
    %slice3A_27 = vector.extract_strided_slice %get3A_1 {offsets = [0, 45], sizes = [2048, 3], strides = [1, 1]} : vector<2048x48xf32> to vector<2048x3xf32>
    %concatenate3A = tpu.concatenate %slice3A, %slice3A_5, %slice3A_6, %slice3A_7, %slice3A_8, %slice3A_9, %slice3A_10, %slice3A_11, %slice3A_12, %slice3A_13, %slice3A_14, %slice3A_15, %slice3A_16, %slice3A_17, %slice3A_18, %slice3A_19, %slice3A_20, %slice3A_21, %slice3A_22, %slice3A_23, %slice3A_24, %slice3A_25, %slice3A_26, %slice3A_27 in 1 : vector<2048x1xf32>, vector<2048x1xf32>, vector<2048x3xf32>, vector<2048x1xf32>, vector<2048x1xf32>, vector<2048x3xf32>, vector<2048x1xf32>, vector<2048x1xf32>, vector<2048x3xf32>, vector<2048x1xf32>, vector<2048x1xf32>, vector<2048x3xf32>, vector<2048x1xf32>, vector<2048x1xf32>, vector<2048x3xf32>, vector<2048x1xf32>, vector<2048x1xf32>, vector<2048x3xf32>, vector<2048x1xf32>, vector<2048x1xf32>, vector<2048x3xf32>, vector<2048x1xf32>, vector<2048x1xf32>, vector<2048x3xf32> -> vector<2048x40xf32>
    %get3A_28 = arith.constant 0 : index
    %get3A_29 = arith.constant 0 : index
    %get3A_30 = vector.load %arg3[%get3A_28, %get3A_29] : memref<40x256xf32, #tpu.memory_space<vmem>>, vector<40x256xf32>
    %dot_general3A = arith.constant dense<0.000000e+00> : vector<2048x256xf32>
    %dot_general3A_31 = tpu.matmul %concatenate3A, %get3A_30, %dot_general3A {dimension_numbers = #tpu.dot_dimension_numbers<[1], [0], [0], [1], [0, 0, 1, 1], [], []>, transpose_lhs_hint = false} : vector<2048x40xf32>, vector<40x256xf32>, vector<2048x256xf32> -> vector<2048x256xf32>
    %get3A_32 = arith.constant 0 : index
    %get3A_33 = arith.constant 0 : index
    %get3A_34 = vector.load %arg4[%get3A_32, %get3A_33] : memref<1x256xf32, #tpu.memory_space<vmem>>, vector<1x256xf32>
    %add3A = vector.broadcast %get3A_34 : vector<1x256xf32> to vector<2048x256xf32>
    %add3A_35 = arith.addf %dot_general3A_31, %add3A : vector<2048x256xf32>
    %max3A = arith.constant 0.000000e+00 : f32
    %max3A_36 = vector.broadcast %max3A : f32 to vector<2048x256xf32>
    %max3A_37 = arith.maximumf %add3A_35, %max3A_36 : vector<2048x256xf32>
    %get3A_38 = arith.constant 0 : index
    %get3A_39 = arith.constant 0 : index
    %get3A_40 = vector.load %arg5[%get3A_38, %get3A_39] : memref<256x8xf32, #tpu.memory_space<vmem>>, vector<256x8xf32>
    %dot_general3A_41 = arith.constant dense<0.000000e+00> : vector<2048x8xf32>
    %dot_general3A_42 = tpu.matmul %max3A_37, %get3A_40, %dot_general3A_41 {dimension_numbers = #tpu.dot_dimension_numbers<[1], [0], [0], [1], [0, 0, 1, 1], [], []>, transpose_lhs_hint = false} : vector<2048x256xf32>, vector<256x8xf32>, vector<2048x8xf32> -> vector<2048x8xf32>
    %get3A_43 = arith.constant 0 : index
    %get3A_44 = arith.constant 0 : index
    %get3A_45 = vector.load %arg6[%get3A_43, %get3A_44] : memref<1x1xf32, #tpu.memory_space<vmem>>, vector<1x1xf32>
    %add3A_46 = vector.broadcast %get3A_45 : vector<1x1xf32> to vector<2048x8xf32>
    %add3A_47 = arith.addf %dot_general3A_42, %add3A_46 : vector<2048x8xf32>
    %swap3A = arith.constant 0 : index
    %swap3A_48 = arith.constant 0 : index
    %swap3A_49 = vector.load %arg7[%swap3A, %swap3A_48] : memref<2048x8xf32, #tpu.memory_space<vmem>>, vector<2048x8xf32>
    tpu.vector_store %arg7[%swap3A, %swap3A_48], %add3A_47 {strides = array<i32>} : memref<2048x8xf32, #tpu.memory_space<vmem>>, vector<2048x8xf32>,
    return
  }
  func.func @transform_0(%arg0: i32) -> (i32, i32) {
    %c0_i32 = arith.constant 0 : i32
    %c0_i32_0 = arith.constant 0 : i32
    return %arg0, %c0_i32 : i32, i32
  }
  func.func @transform_1(%arg0: i32) -> (i32, i32) {
    %c0_i32 = arith.constant 0 : i32
    %c0_i32_0 = arith.constant 0 : i32
    return %arg0, %c0_i32 : i32, i32
  }
  func.func @transform_2(%arg0: i32) -> (i32, i32) {
    %c0_i32 = arith.constant 0 : i32
    %c0_i32_0 = arith.constant 0 : i32
    %c0_i32_1 = arith.constant 0 : i32
    return %c0_i32, %c0_i32_0 : i32, i32
  }
  func.func @transform_3(%arg0: i32) -> (i32, i32) {
    %c0_i32 = arith.constant 0 : i32
    %c0_i32_0 = arith.constant 0 : i32
    %c0_i32_1 = arith.constant 0 : i32
    return %c0_i32, %c0_i32_0 : i32, i32
  }
  func.func @transform_4(%arg0: i32) -> (i32, i32) {
    %c0_i32 = arith.constant 0 : i32
    %c0_i32_0 = arith.constant 0 : i32
    %c0_i32_1 = arith.constant 0 : i32
    return %c0_i32, %c0_i32_0 : i32, i32
  }
  func.func @transform_5(%arg0: i32) -> (i32, i32) {
    %c0_i32 = arith.constant 0 : i32
    %c0_i32_0 = arith.constant 0 : i32
    %c0_i32_1 = arith.constant 0 : i32
    return %c0_i32, %c0_i32_0 : i32, i32
  }
  func.func @transform_6(%arg0: i32) -> (i32, i32) {
    %c0_i32 = arith.constant 0 : i32
    %c0_i32_0 = arith.constant 0 : i32
    return %arg0, %c0_i32 : i32, i32
  }
}

module attributes {stable_mosaic.version = 14 : i64} {
  func.func @_item_sel_body(%arg0: i32, %arg1: memref<128x2048xf32, #tpu.memory_space<vmem>>, %arg2: memref<128x2048xf32, #tpu.memory_space<vmem>>, %arg3: memref<128x1xi32, #tpu.memory_space<vmem>>, %arg4: memref<128x1xf32, #tpu.memory_space<vmem>>, %arg5: memref<128x1xf32, #tpu.memory_space<vmem>>) attributes {dimension_semantics = [#tpu.dimension_semantics<arbitrary>], iteration_bounds = array<i64: 32>, scalar_prefetch = 0 : i64, scratch_operands = 0 : i64, tpu.core_type = #tpu.core_type<tc>, window_params = [{transform_indices = @transform_0, window_bounds = array<i64: 128, 2048>}, {transform_indices = @transform_1, window_bounds = array<i64: 128, 2048>}, {transform_indices = @transform_2, window_bounds = array<i64: 128, 1>}, {transform_indices = @transform_3, window_bounds = array<i64: 128, 1>}, {transform_indices = @transform_4, window_bounds = array<i64: 128, 1>}]} {
    %get3A = arith.constant 0 : index
    %get3A_0 = arith.constant 0 : index
    %get3A_1 = vector.load %arg1[%get3A, %get3A_0] : memref<128x2048xf32, #tpu.memory_space<vmem>>, vector<128x2048xf32>
    %reduce_max3A = arith.constant dense<0xFF800000> : vector<128xf32>
    %reduce_max3A_2 = vector.multi_reduction <maximumf>, %get3A_1, %reduce_max3A [1] : vector<128x2048xf32> to vector<128xf32>
    %broadcast_in_dim3A = vector.shape_cast %reduce_max3A_2 : vector<128xf32> to vector<128x1xf32>
    %sub3A = vector.broadcast %broadcast_in_dim3A : vector<128x1xf32> to vector<128x2048xf32>
    %sub3A_3 = arith.subf %get3A_1, %sub3A : vector<128x2048xf32>
    %exp3A = math.exp %sub3A_3 : vector<128x2048xf32>
    %reduce_sum3A = arith.constant dense<0.000000e+00> : vector<128xf32>
    %reduce_sum3A_4 = vector.multi_reduction <add>, %exp3A, %reduce_sum3A [1] : vector<128x2048xf32> to vector<128xf32>
    %broadcast_in_dim3A_5 = vector.shape_cast %reduce_sum3A_4 : vector<128xf32> to vector<128x1xf32>
    %div3A = vector.broadcast %broadcast_in_dim3A_5 : vector<128x1xf32> to vector<128x2048xf32>
    %div3A_6 = arith.divf %exp3A, %div3A : vector<128x2048xf32>
    %reduce_max3A_7 = arith.constant dense<0xFF800000> : vector<128xf32>
    %reduce_max3A_8 = vector.multi_reduction <maximumf>, %div3A_6, %reduce_max3A_7 [1] : vector<128x2048xf32> to vector<128xf32>
    %broadcast_in_dim3A_9 = vector.shape_cast %reduce_max3A_8 : vector<128xf32> to vector<128x1xf32>
    %iota3A = tpu.iota {dimensions = array<i32: 1>} : vector<128x2048xi32>
    %eq3A = vector.broadcast %broadcast_in_dim3A_9 : vector<128x1xf32> to vector<128x2048xf32>
    %eq3A_10 = arith.cmpf oeq, %div3A_6, %eq3A : vector<128x2048xf32>
    %jit3A = arith.constant 2048 : i32
    %broadcast_in_dim3A_11 = vector.broadcast %jit3A : i32 to vector<128x2048xi32>
    %select_n3A = arith.select %eq3A_10, %iota3A, %broadcast_in_dim3A_11 : vector<128x2048xi1>, vector<128x2048xi32>
    %reduce_min3A = arith.constant dense<2147483647> : vector<128xi32>
    %reduce_min3A_12 = vector.multi_reduction <minsi>, %select_n3A, %reduce_min3A [1] : vector<128x2048xi32> to vector<128xi32>
    %broadcast_in_dim3A_13 = vector.shape_cast %reduce_min3A_12 : vector<128xi32> to vector<128x1xi32>
    %swap3A = arith.constant 0 : index
    %swap3A_14 = arith.constant 0 : index
    %swap3A_15 = vector.load %arg3[%swap3A, %swap3A_14] : memref<128x1xi32, #tpu.memory_space<vmem>>, vector<128x1xi32>
    tpu.vector_store %arg3[%swap3A, %swap3A_14], %broadcast_in_dim3A_13 {strides = array<i32>} : memref<128x1xi32, #tpu.memory_space<vmem>>, vector<128x1xi32>,
    %log3A = math.log %broadcast_in_dim3A_9 : vector<128x1xf32>
    %swap3A_16 = arith.constant 0 : index
    %swap3A_17 = arith.constant 0 : index
    %swap3A_18 = vector.load %arg4[%swap3A_16, %swap3A_17] : memref<128x1xf32, #tpu.memory_space<vmem>>, vector<128x1xf32>
    tpu.vector_store %arg4[%swap3A_16, %swap3A_17], %log3A {strides = array<i32>} : memref<128x1xf32, #tpu.memory_space<vmem>>, vector<128x1xf32>,
    %eq3A_19 = vector.broadcast %broadcast_in_dim3A_13 : vector<128x1xi32> to vector<128x2048xi32>
    %eq3A_20 = arith.cmpi eq, %iota3A, %eq3A_19 : vector<128x2048xi32>
    %get3A_21 = arith.constant 0 : index
    %get3A_22 = arith.constant 0 : index
    %get3A_23 = vector.load %arg2[%get3A_21, %get3A_22] : memref<128x2048xf32, #tpu.memory_space<vmem>>, vector<128x2048xf32>
    %jit3A_24 = arith.constant 0.000000e+00 : f32
    %broadcast_in_dim3A_25 = vector.broadcast %jit3A_24 : f32 to vector<128x2048xf32>
    %select_n3A_26 = arith.select %eq3A_20, %get3A_23, %broadcast_in_dim3A_25 : vector<128x2048xi1>, vector<128x2048xf32>
    %reduce_sum3A_27 = arith.constant dense<0.000000e+00> : vector<128xf32>
    %reduce_sum3A_28 = vector.multi_reduction <add>, %select_n3A_26, %reduce_sum3A_27 [1] : vector<128x2048xf32> to vector<128xf32>
    %broadcast_in_dim3A_29 = vector.shape_cast %reduce_sum3A_28 : vector<128xf32> to vector<128x1xf32>
    %swap3A_30 = arith.constant 0 : index
    %swap3A_31 = arith.constant 0 : index
    %swap3A_32 = vector.load %arg5[%swap3A_30, %swap3A_31] : memref<128x1xf32, #tpu.memory_space<vmem>>, vector<128x1xf32>
    tpu.vector_store %arg5[%swap3A_30, %swap3A_31], %broadcast_in_dim3A_29 {strides = array<i32>} : memref<128x1xf32, #tpu.memory_space<vmem>>, vector<128x1xf32>,
    return
  }
  func.func @transform_0(%arg0: i32) -> (i32, i32) {
    %c0_i32 = arith.constant 0 : i32
    %c0_i32_0 = arith.constant 0 : i32
    return %arg0, %c0_i32 : i32, i32
  }
  func.func @transform_1(%arg0: i32) -> (i32, i32) {
    %c0_i32 = arith.constant 0 : i32
    %c0_i32_0 = arith.constant 0 : i32
    return %arg0, %c0_i32 : i32, i32
  }
  func.func @transform_2(%arg0: i32) -> (i32, i32) {
    %c0_i32 = arith.constant 0 : i32
    %c0_i32_0 = arith.constant 0 : i32
    return %arg0, %c0_i32 : i32, i32
  }
  func.func @transform_3(%arg0: i32) -> (i32, i32) {
    %c0_i32 = arith.constant 0 : i32
    %c0_i32_0 = arith.constant 0 : i32
    return %arg0, %c0_i32 : i32, i32
  }
  func.func @transform_4(%arg0: i32) -> (i32, i32) {
    %c0_i32 = arith.constant 0 : i32
    %c0_i32_0 = arith.constant 0 : i32
    return %arg0, %c0_i32 : i32, i32
  }
}

module attributes {stable_mosaic.version = 14 : i64} {
  func.func @_bin_head_body(%arg0: i32, %arg1: memref<2048x48xf32, #tpu.memory_space<vmem>>, %arg2: memref<8x1xf32, #tpu.memory_space<vmem>>, %arg3: memref<40x256xf32, #tpu.memory_space<vmem>>, %arg4: memref<1x256xf32, #tpu.memory_space<vmem>>, %arg5: memref<256x8xf32, #tpu.memory_space<vmem>>, %arg6: memref<1x1xf32, #tpu.memory_space<vmem>>, %arg7: memref<2048x8xf32, #tpu.memory_space<vmem>>) attributes {dimension_semantics = [#tpu.dimension_semantics<arbitrary>], iteration_bounds = array<i64: 512>, scalar_prefetch = 0 : i64, scratch_operands = 0 : i64, tpu.core_type = #tpu.core_type<tc>, window_params = [{transform_indices = @transform_0, window_bounds = array<i64: 2048, 48>}, {transform_indices = @transform_1, window_bounds = array<i64: 8, 1>}, {pipeline_mode = #tpu.pipeline_mode<synchronous>, transform_indices = @transform_2, window_bounds = array<i64: 40, 256>}, {pipeline_mode = #tpu.pipeline_mode<synchronous>, transform_indices = @transform_3, window_bounds = array<i64: 1, 256>}, {pipeline_mode = #tpu.pipeline_mode<synchronous>, transform_indices = @transform_4, window_bounds = array<i64: 256, 8>}, {pipeline_mode = #tpu.pipeline_mode<synchronous>, transform_indices = @transform_5, window_bounds = array<i64: 1, 1>}, {transform_indices = @transform_6, window_bounds = array<i64: 2048, 8>}]} {
    %get3A = arith.constant 0 : index
    %get3A_0 = arith.constant 0 : index
    %get3A_1 = vector.load %arg1[%get3A, %get3A_0] : memref<2048x48xf32, #tpu.memory_space<vmem>>, vector<2048x48xf32>
    %iota3A = tpu.iota {dimensions = array<i32: 0>} : vector<2048x1xi32>
    %jit3A = arith.constant 256 : i32
    %div3A = vector.broadcast %jit3A : i32 to vector<2048x1xi32>
    %div3A_2 = arith.divsi %iota3A, %div3A : vector<2048x1xi32>
    %sign3A = arith.constant 0 : i32
    %sign3A_3 = vector.broadcast %sign3A : i32 to vector<2048x1xi32>
    %sign3A_4 = arith.cmpi sgt, %iota3A, %sign3A_3 : vector<2048x1xi32>
    %sign3A_5 = arith.extui %sign3A_4 : vector<2048x1xi1> to vector<2048x1xi32>
    %sign3A_6 = arith.constant 0 : i32
    %sign3A_7 = vector.broadcast %sign3A_6 : i32 to vector<2048x1xi32>
    %sign3A_8 = arith.cmpi slt, %iota3A, %sign3A_7 : vector<2048x1xi32>
    %sign3A_9 = arith.extui %sign3A_8 : vector<2048x1xi1> to vector<2048x1xi32>
    %sign3A_10 = arith.subi %sign3A_5, %sign3A_9 : vector<2048x1xi32>
    %sign3A_11 = arith.constant 0 : i32
    %sign3A_12 = arith.cmpi sgt, %jit3A, %sign3A_11 : i32
    %sign3A_13 = arith.extui %sign3A_12 : i1 to i32
    %sign3A_14 = arith.constant 0 : i32
    %sign3A_15 = arith.cmpi slt, %jit3A, %sign3A_14 : i32
    %sign3A_16 = arith.extui %sign3A_15 : i1 to i32
    %sign3A_17 = arith.subi %sign3A_13, %sign3A_16 : i32
    %ne3A = vector.broadcast %sign3A_17 : i32 to vector<2048x1xi32>
    %ne3A_18 = arith.cmpi ne, %sign3A_10, %ne3A : vector<2048x1xi32>
    %rem3A = vector.broadcast %jit3A : i32 to vector<2048x1xi32>
    %rem3A_19 = arith.remsi %iota3A, %rem3A : vector<2048x1xi32>
    %ne3A_20 = arith.constant 0 : i32
    %ne3A_21 = vector.broadcast %ne3A_20 : i32 to vector<2048x1xi32>
    %ne3A_22 = arith.cmpi ne, %rem3A_19, %ne3A_21 : vector<2048x1xi32>
    %and3A = arith.andi %ne3A_18, %ne3A_22 : vector<2048x1xi1>
    %sub3A = arith.constant 1 : i32
    %sub3A_23 = vector.broadcast %sub3A : i32 to vector<2048x1xi32>
    %sub3A_24 = arith.subi %div3A_2, %sub3A_23 : vector<2048x1xi32>
    %select_n3A = arith.select %and3A, %sub3A_24, %div3A_2 : vector<2048x1xi1>, vector<2048x1xi32>
    %get3A_25 = arith.constant 0 : index
    %get3A_26 = arith.constant 0 : index
    %get3A_27 = vector.load %arg2[%get3A_25, %get3A_26] : memref<8x1xf32, #tpu.memory_space<vmem>>, vector<1x1xf32>
    %get3A_28 = vector.extract %get3A_27[0, 0] : f32 from vector<1x1xf32>
    %broadcast_in_dim3A = vector.broadcast %get3A_28 : f32 to vector<2048x1xf32>
    %eq3A = arith.constant 1 : i32
    %eq3A_29 = vector.broadcast %eq3A : i32 to vector<2048x1xi32>
    %eq3A_30 = arith.cmpi eq, %select_n3A, %eq3A_29 : vector<2048x1xi32>
    %get3A_31 = arith.constant 1 : index
    %get3A_32 = arith.constant 0 : index
    %get3A_33 = vector.load %arg2[%get3A_31, %get3A_32] : memref<8x1xf32, #tpu.memory_space<vmem>>, vector<1x1xf32>
    %get3A_34 = vector.extract %get3A_33[0, 0] : f32 from vector<1x1xf32>
    %broadcast_in_dim3A_35 = vector.broadcast %get3A_34 : f32 to vector<2048x1xf32>
    %select_n3A_36 = arith.select %eq3A_30, %broadcast_in_dim3A_35, %broadcast_in_dim3A : vector<2048x1xi1>, vector<2048x1xf32>
    %eq3A_37 = arith.constant 2 : i32
    %eq3A_38 = vector.broadcast %eq3A_37 : i32 to vector<2048x1xi32>
    %eq3A_39 = arith.cmpi eq, %select_n3A, %eq3A_38 : vector<2048x1xi32>
    %get3A_40 = arith.constant 2 : index
    %get3A_41 = arith.constant 0 : index
    %get3A_42 = vector.load %arg2[%get3A_40, %get3A_41] : memref<8x1xf32, #tpu.memory_space<vmem>>, vector<1x1xf32>
    %get3A_43 = vector.extract %get3A_42[0, 0] : f32 from vector<1x1xf32>
    %broadcast_in_dim3A_44 = vector.broadcast %get3A_43 : f32 to vector<2048x1xf32>
    %select_n3A_45 = arith.select %eq3A_39, %broadcast_in_dim3A_44, %select_n3A_36 : vector<2048x1xi1>, vector<2048x1xf32>
    %eq3A_46 = arith.constant 3 : i32
    %eq3A_47 = vector.broadcast %eq3A_46 : i32 to vector<2048x1xi32>
    %eq3A_48 = arith.cmpi eq, %select_n3A, %eq3A_47 : vector<2048x1xi32>
    %get3A_49 = arith.constant 3 : index
    %get3A_50 = arith.constant 0 : index
    %get3A_51 = vector.load %arg2[%get3A_49, %get3A_50] : memref<8x1xf32, #tpu.memory_space<vmem>>, vector<1x1xf32>
    %get3A_52 = vector.extract %get3A_51[0, 0] : f32 from vector<1x1xf32>
    %broadcast_in_dim3A_53 = vector.broadcast %get3A_52 : f32 to vector<2048x1xf32>
    %select_n3A_54 = arith.select %eq3A_48, %broadcast_in_dim3A_53, %select_n3A_45 : vector<2048x1xi1>, vector<2048x1xf32>
    %eq3A_55 = arith.constant 4 : i32
    %eq3A_56 = vector.broadcast %eq3A_55 : i32 to vector<2048x1xi32>
    %eq3A_57 = arith.cmpi eq, %select_n3A, %eq3A_56 : vector<2048x1xi32>
    %get3A_58 = arith.constant 4 : index
    %get3A_59 = arith.constant 0 : index
    %get3A_60 = vector.load %arg2[%get3A_58, %get3A_59] : memref<8x1xf32, #tpu.memory_space<vmem>>, vector<1x1xf32>
    %get3A_61 = vector.extract %get3A_60[0, 0] : f32 from vector<1x1xf32>
    %broadcast_in_dim3A_62 = vector.broadcast %get3A_61 : f32 to vector<2048x1xf32>
    %select_n3A_63 = arith.select %eq3A_57, %broadcast_in_dim3A_62, %select_n3A_54 : vector<2048x1xi1>, vector<2048x1xf32>
    %eq3A_64 = arith.constant 5 : i32
    %eq3A_65 = vector.broadcast %eq3A_64 : i32 to vector<2048x1xi32>
    %eq3A_66 = arith.cmpi eq, %select_n3A, %eq3A_65 : vector<2048x1xi32>
    %get3A_67 = arith.constant 5 : index
    %get3A_68 = arith.constant 0 : index
    %get3A_69 = vector.load %arg2[%get3A_67, %get3A_68] : memref<8x1xf32, #tpu.memory_space<vmem>>, vector<1x1xf32>
    %get3A_70 = vector.extract %get3A_69[0, 0] : f32 from vector<1x1xf32>
    %broadcast_in_dim3A_71 = vector.broadcast %get3A_70 : f32 to vector<2048x1xf32>
    %select_n3A_72 = arith.select %eq3A_66, %broadcast_in_dim3A_71, %select_n3A_63 : vector<2048x1xi1>, vector<2048x1xf32>
    %eq3A_73 = arith.constant 6 : i32
    %eq3A_74 = vector.broadcast %eq3A_73 : i32 to vector<2048x1xi32>
    %eq3A_75 = arith.cmpi eq, %select_n3A, %eq3A_74 : vector<2048x1xi32>
    %get3A_76 = arith.constant 6 : index
    %get3A_77 = arith.constant 0 : index
    %get3A_78 = vector.load %arg2[%get3A_76, %get3A_77] : memref<8x1xf32, #tpu.memory_space<vmem>>, vector<1x1xf32>
    %get3A_79 = vector.extract %get3A_78[0, 0] : f32 from vector<1x1xf32>
    %broadcast_in_dim3A_80 = vector.broadcast %get3A_79 : f32 to vector<2048x1xf32>
    %select_n3A_81 = arith.select %eq3A_75, %broadcast_in_dim3A_80, %select_n3A_72 : vector<2048x1xi1>, vector<2048x1xf32>
    %eq3A_82 = arith.constant 7 : i32
    %eq3A_83 = vector.broadcast %eq3A_82 : i32 to vector<2048x1xi32>
    %eq3A_84 = arith.cmpi eq, %select_n3A, %eq3A_83 : vector<2048x1xi32>
    %get3A_85 = arith.constant 7 : index
    %get3A_86 = arith.constant 0 : index
    %get3A_87 = vector.load %arg2[%get3A_85, %get3A_86] : memref<8x1xf32, #tpu.memory_space<vmem>>, vector<1x1xf32>
    %get3A_88 = vector.extract %get3A_87[0, 0] : f32 from vector<1x1xf32>
    %broadcast_in_dim3A_89 = vector.broadcast %get3A_88 : f32 to vector<2048x1xf32>
    %select_n3A_90 = arith.select %eq3A_84, %broadcast_in_dim3A_89, %select_n3A_81 : vector<2048x1xi1>, vector<2048x1xf32>
    %slice3A = vector.extract_strided_slice %get3A_1 {offsets = [0, 2], sizes = [2048, 4], strides = [1, 1]} : vector<2048x48xf32> to vector<2048x4xf32>
    %slice3A_91 = vector.extract_strided_slice %get3A_1 {offsets = [0, 8], sizes = [2048, 4], strides = [1, 1]} : vector<2048x48xf32> to vector<2048x4xf32>
    %slice3A_92 = vector.extract_strided_slice %get3A_1 {offsets = [0, 14], sizes = [2048, 4], strides = [1, 1]} : vector<2048x48xf32> to vector<2048x4xf32>
    %slice3A_93 = vector.extract_strided_slice %get3A_1 {offsets = [0, 20], sizes = [2048, 4], strides = [1, 1]} : vector<2048x48xf32> to vector<2048x4xf32>
    %slice3A_94 = vector.extract_strided_slice %get3A_1 {offsets = [0, 26], sizes = [2048, 4], strides = [1, 1]} : vector<2048x48xf32> to vector<2048x4xf32>
    %slice3A_95 = vector.extract_strided_slice %get3A_1 {offsets = [0, 32], sizes = [2048, 4], strides = [1, 1]} : vector<2048x48xf32> to vector<2048x4xf32>
    %slice3A_96 = vector.extract_strided_slice %get3A_1 {offsets = [0, 38], sizes = [2048, 4], strides = [1, 1]} : vector<2048x48xf32> to vector<2048x4xf32>
    %slice3A_97 = vector.extract_strided_slice %get3A_1 {offsets = [0, 44], sizes = [2048, 4], strides = [1, 1]} : vector<2048x48xf32> to vector<2048x4xf32>
    %concatenate3A = tpu.concatenate %select_n3A_90, %slice3A, %select_n3A_90, %slice3A_91, %select_n3A_90, %slice3A_92, %select_n3A_90, %slice3A_93, %select_n3A_90, %slice3A_94, %select_n3A_90, %slice3A_95, %select_n3A_90, %slice3A_96, %select_n3A_90, %slice3A_97 in 1 : vector<2048x1xf32>, vector<2048x4xf32>, vector<2048x1xf32>, vector<2048x4xf32>, vector<2048x1xf32>, vector<2048x4xf32>, vector<2048x1xf32>, vector<2048x4xf32>, vector<2048x1xf32>, vector<2048x4xf32>, vector<2048x1xf32>, vector<2048x4xf32>, vector<2048x1xf32>, vector<2048x4xf32>, vector<2048x1xf32>, vector<2048x4xf32> -> vector<2048x40xf32>
    %get3A_98 = arith.constant 0 : index
    %get3A_99 = arith.constant 0 : index
    %get3A_100 = vector.load %arg3[%get3A_98, %get3A_99] : memref<40x256xf32, #tpu.memory_space<vmem>>, vector<40x256xf32>
    %dot_general3A = arith.constant dense<0.000000e+00> : vector<2048x256xf32>
    %dot_general3A_101 = tpu.matmul %concatenate3A, %get3A_100, %dot_general3A {dimension_numbers = #tpu.dot_dimension_numbers<[1], [0], [0], [1], [0, 0, 1, 1], [], []>, transpose_lhs_hint = false} : vector<2048x40xf32>, vector<40x256xf32>, vector<2048x256xf32> -> vector<2048x256xf32>
    %get3A_102 = arith.constant 0 : index
    %get3A_103 = arith.constant 0 : index
    %get3A_104 = vector.load %arg4[%get3A_102, %get3A_103] : memref<1x256xf32, #tpu.memory_space<vmem>>, vector<1x256xf32>
    %add3A = vector.broadcast %get3A_104 : vector<1x256xf32> to vector<2048x256xf32>
    %add3A_105 = arith.addf %dot_general3A_101, %add3A : vector<2048x256xf32>
    %max3A = arith.constant 0.000000e+00 : f32
    %max3A_106 = vector.broadcast %max3A : f32 to vector<2048x256xf32>
    %max3A_107 = arith.maximumf %add3A_105, %max3A_106 : vector<2048x256xf32>
    %get3A_108 = arith.constant 0 : index
    %get3A_109 = arith.constant 0 : index
    %get3A_110 = vector.load %arg5[%get3A_108, %get3A_109] : memref<256x8xf32, #tpu.memory_space<vmem>>, vector<256x8xf32>
    %dot_general3A_111 = arith.constant dense<0.000000e+00> : vector<2048x8xf32>
    %dot_general3A_112 = tpu.matmul %max3A_107, %get3A_110, %dot_general3A_111 {dimension_numbers = #tpu.dot_dimension_numbers<[1], [0], [0], [1], [0, 0, 1, 1], [], []>, transpose_lhs_hint = false} : vector<2048x256xf32>, vector<256x8xf32>, vector<2048x8xf32> -> vector<2048x8xf32>
    %get3A_113 = arith.constant 0 : index
    %get3A_114 = arith.constant 0 : index
    %get3A_115 = vector.load %arg6[%get3A_113, %get3A_114] : memref<1x1xf32, #tpu.memory_space<vmem>>, vector<1x1xf32>
    %add3A_116 = vector.broadcast %get3A_115 : vector<1x1xf32> to vector<2048x8xf32>
    %add3A_117 = arith.addf %dot_general3A_112, %add3A_116 : vector<2048x8xf32>
    %swap3A = arith.constant 0 : index
    %swap3A_118 = arith.constant 0 : index
    %swap3A_119 = vector.load %arg7[%swap3A, %swap3A_118] : memref<2048x8xf32, #tpu.memory_space<vmem>>, vector<2048x8xf32>
    tpu.vector_store %arg7[%swap3A, %swap3A_118], %add3A_117 {strides = array<i32>} : memref<2048x8xf32, #tpu.memory_space<vmem>>, vector<2048x8xf32>,
    return
  }
  func.func @transform_0(%arg0: i32) -> (i32, i32) {
    %c0_i32 = arith.constant 0 : i32
    %c0_i32_0 = arith.constant 0 : i32
    return %arg0, %c0_i32 : i32, i32
  }
  func.func @transform_1(%arg0: i32) -> (i32, i32) {
    %c0_i32 = arith.constant 0 : i32
    %c0_i32_0 = arith.constant 0 : i32
    return %arg0, %c0_i32 : i32, i32
  }
  func.func @transform_2(%arg0: i32) -> (i32, i32) {
    %c0_i32 = arith.constant 0 : i32
    %c0_i32_0 = arith.constant 0 : i32
    %c0_i32_1 = arith.constant 0 : i32
    return %c0_i32, %c0_i32_0 : i32, i32
  }
  func.func @transform_3(%arg0: i32) -> (i32, i32) {
    %c0_i32 = arith.constant 0 : i32
    %c0_i32_0 = arith.constant 0 : i32
    %c0_i32_1 = arith.constant 0 : i32
    return %c0_i32, %c0_i32_0 : i32, i32
  }
  func.func @transform_4(%arg0: i32) -> (i32, i32) {
    %c0_i32 = arith.constant 0 : i32
    %c0_i32_0 = arith.constant 0 : i32
    %c0_i32_1 = arith.constant 0 : i32
    return %c0_i32, %c0_i32_0 : i32, i32
  }
  func.func @transform_5(%arg0: i32) -> (i32, i32) {
    %c0_i32 = arith.constant 0 : i32
    %c0_i32_0 = arith.constant 0 : i32
    %c0_i32_1 = arith.constant 0 : i32
    return %c0_i32, %c0_i32_0 : i32, i32
  }
  func.func @transform_6(%arg0: i32) -> (i32, i32) {
    %c0_i32 = arith.constant 0 : i32
    %c0_i32_0 = arith.constant 0 : i32
    return %arg0, %c0_i32 : i32, i32
  }
}

module attributes {stable_mosaic.version = 14 : i64} {
  func.func @_bin_sel_body(%arg0: i32, %arg1: memref<128x2048xf32, #tpu.memory_space<vmem>>, %arg2: memref<128x2048xf32, #tpu.memory_space<vmem>>, %arg3: memref<128x1xi32, #tpu.memory_space<vmem>>, %arg4: memref<128x1xf32, #tpu.memory_space<vmem>>, %arg5: memref<128x1xf32, #tpu.memory_space<vmem>>, %arg6: memref<128x2xi32, #tpu.memory_space<vmem>>, %arg7: memref<128x1xf32, #tpu.memory_space<vmem>>) attributes {dimension_semantics = [#tpu.dimension_semantics<arbitrary>], iteration_bounds = array<i64: 32>, scalar_prefetch = 0 : i64, scratch_operands = 0 : i64, tpu.core_type = #tpu.core_type<tc>, window_params = [{transform_indices = @transform_0, window_bounds = array<i64: 128, 2048>}, {transform_indices = @transform_1, window_bounds = array<i64: 128, 2048>}, {transform_indices = @transform_2, window_bounds = array<i64: 128, 1>}, {transform_indices = @transform_3, window_bounds = array<i64: 128, 1>}, {transform_indices = @transform_4, window_bounds = array<i64: 128, 1>}, {transform_indices = @transform_5, window_bounds = array<i64: 128, 2>}, {transform_indices = @transform_6, window_bounds = array<i64: 128, 1>}]} {
    %get3A = arith.constant 0 : index
    %get3A_0 = arith.constant 0 : index
    %get3A_1 = vector.load %arg1[%get3A, %get3A_0] : memref<128x2048xf32, #tpu.memory_space<vmem>>, vector<128x2048xf32>
    %get3A_2 = arith.constant 0 : index
    %get3A_3 = arith.constant 0 : index
    %get3A_4 = vector.load %arg2[%get3A_2, %get3A_3] : memref<128x2048xf32, #tpu.memory_space<vmem>>, vector<128x2048xf32>
    %get3A_5 = arith.constant 0 : index
    %get3A_6 = arith.constant 0 : index
    %get3A_7 = vector.load %arg4[%get3A_5, %get3A_6] : memref<128x1xf32, #tpu.memory_space<vmem>>, vector<128x1xf32>
    %get3A_8 = arith.constant 0 : index
    %get3A_9 = arith.constant 0 : index
    %get3A_10 = vector.load %arg3[%get3A_8, %get3A_9] : memref<128x1xi32, #tpu.memory_space<vmem>>, vector<128x1xi32>
    %iota3A = tpu.iota {dimensions = array<i32: 1>} : vector<128x2048xi32>
    %sub3A = vector.broadcast %get3A_7 : vector<128x1xf32> to vector<128x2048xf32>
    %sub3A_11 = arith.subf %sub3A, %get3A_4 : vector<128x2048xf32>
    %gt3A = arith.constant 0.000000e+00 : f32
    %gt3A_12 = vector.broadcast %gt3A : f32 to vector<128x2048xf32>
    %gt3A_13 = arith.cmpf ogt, %sub3A_11, %gt3A_12 : vector<128x2048xf32>
    %jit3A = arith.constant -3.40282347E+38 : f32
    %jit3A_14 = arith.constant 0.000000e+00 : f32
    %broadcast_in_dim3A = vector.broadcast %jit3A : f32 to vector<128x2048xf32>
    %broadcast_in_dim3A_15 = vector.broadcast %jit3A_14 : f32 to vector<128x2048xf32>
    %select_n3A = arith.select %gt3A_13, %broadcast_in_dim3A, %broadcast_in_dim3A_15 : vector<128x2048xi1>, vector<128x2048xf32>
    %eq3A = vector.broadcast %get3A_10 : vector<128x1xi32> to vector<128x2048xi32>
    %eq3A_16 = arith.cmpi eq, %iota3A, %eq3A : vector<128x2048xi32>
    %jit3A_17 = arith.constant -3.40282347E+38 : f32
    %broadcast_in_dim3A_18 = vector.broadcast %jit3A_17 : f32 to vector<128x2048xf32>
    %select_n3A_19 = arith.select %eq3A_16, %broadcast_in_dim3A_18, %select_n3A : vector<128x2048xi1>, vector<128x2048xf32>
    %add3A = arith.addf %get3A_1, %select_n3A_19 : vector<128x2048xf32>
    %reduce_max3A = arith.constant dense<0xFF800000> : vector<128xf32>
    %reduce_max3A_20 = vector.multi_reduction <maximumf>, %add3A, %reduce_max3A [1] : vector<128x2048xf32> to vector<128xf32>
    %broadcast_in_dim3A_21 = vector.shape_cast %reduce_max3A_20 : vector<128xf32> to vector<128x1xf32>
    %sub3A_22 = vector.broadcast %broadcast_in_dim3A_21 : vector<128x1xf32> to vector<128x2048xf32>
    %sub3A_23 = arith.subf %add3A, %sub3A_22 : vector<128x2048xf32>
    %exp3A = math.exp %sub3A_23 : vector<128x2048xf32>
    %reduce_sum3A = arith.constant dense<0.000000e+00> : vector<128xf32>
    %reduce_sum3A_24 = vector.multi_reduction <add>, %exp3A, %reduce_sum3A [1] : vector<128x2048xf32> to vector<128xf32>
    %broadcast_in_dim3A_25 = vector.shape_cast %reduce_sum3A_24 : vector<128xf32> to vector<128x1xf32>
    %div3A = vector.broadcast %broadcast_in_dim3A_25 : vector<128x1xf32> to vector<128x2048xf32>
    %div3A_26 = arith.divf %exp3A, %div3A : vector<128x2048xf32>
    %reduce_max3A_27 = arith.constant dense<0xFF800000> : vector<128xf32>
    %reduce_max3A_28 = vector.multi_reduction <maximumf>, %div3A_26, %reduce_max3A_27 [1] : vector<128x2048xf32> to vector<128xf32>
    %broadcast_in_dim3A_29 = vector.shape_cast %reduce_max3A_28 : vector<128xf32> to vector<128x1xf32>
    %eq3A_30 = vector.broadcast %broadcast_in_dim3A_29 : vector<128x1xf32> to vector<128x2048xf32>
    %eq3A_31 = arith.cmpf oeq, %div3A_26, %eq3A_30 : vector<128x2048xf32>
    %jit3A_32 = arith.constant 2048 : i32
    %broadcast_in_dim3A_33 = vector.broadcast %jit3A_32 : i32 to vector<128x2048xi32>
    %select_n3A_34 = arith.select %eq3A_31, %iota3A, %broadcast_in_dim3A_33 : vector<128x2048xi1>, vector<128x2048xi32>
    %reduce_min3A = arith.constant dense<2147483647> : vector<128xi32>
    %reduce_min3A_35 = vector.multi_reduction <minsi>, %select_n3A_34, %reduce_min3A [1] : vector<128x2048xi32> to vector<128xi32>
    %broadcast_in_dim3A_36 = vector.shape_cast %reduce_min3A_35 : vector<128xi32> to vector<128x1xi32>
    %concatenate3A = tpu.concatenate %get3A_10, %broadcast_in_dim3A_36 in 1 : vector<128x1xi32>, vector<128x1xi32> -> vector<128x2xi32>
    %swap3A = arith.constant 0 : index
    %swap3A_37 = arith.constant 0 : index
    %swap3A_38 = vector.load %arg6[%swap3A, %swap3A_37] : memref<128x2xi32, #tpu.memory_space<vmem>>, vector<128x2xi32>
    tpu.vector_store %arg6[%swap3A, %swap3A_37], %concatenate3A {strides = array<i32>} : memref<128x2xi32, #tpu.memory_space<vmem>>, vector<128x2xi32>,
    %get3A_39 = arith.constant 0 : index
    %get3A_40 = arith.constant 0 : index
    %get3A_41 = vector.load %arg5[%get3A_39, %get3A_40] : memref<128x1xf32, #tpu.memory_space<vmem>>, vector<128x1xf32>
    %log3A = math.log %broadcast_in_dim3A_29 : vector<128x1xf32>
    %add3A_42 = arith.addf %get3A_41, %log3A : vector<128x1xf32>
    %swap3A_43 = arith.constant 0 : index
    %swap3A_44 = arith.constant 0 : index
    %swap3A_45 = vector.load %arg7[%swap3A_43, %swap3A_44] : memref<128x1xf32, #tpu.memory_space<vmem>>, vector<128x1xf32>
    tpu.vector_store %arg7[%swap3A_43, %swap3A_44], %add3A_42 {strides = array<i32>} : memref<128x1xf32, #tpu.memory_space<vmem>>, vector<128x1xf32>,
    return
  }
  func.func @transform_0(%arg0: i32) -> (i32, i32) {
    %c0_i32 = arith.constant 0 : i32
    %c0_i32_0 = arith.constant 0 : i32
    return %arg0, %c0_i32 : i32, i32
  }
  func.func @transform_1(%arg0: i32) -> (i32, i32) {
    %c0_i32 = arith.constant 0 : i32
    %c0_i32_0 = arith.constant 0 : i32
    return %arg0, %c0_i32 : i32, i32
  }
  func.func @transform_2(%arg0: i32) -> (i32, i32) {
    %c0_i32 = arith.constant 0 : i32
    %c0_i32_0 = arith.constant 0 : i32
    return %arg0, %c0_i32 : i32, i32
  }
  func.func @transform_3(%arg0: i32) -> (i32, i32) {
    %c0_i32 = arith.constant 0 : i32
    %c0_i32_0 = arith.constant 0 : i32
    return %arg0, %c0_i32 : i32, i32
  }
  func.func @transform_4(%arg0: i32) -> (i32, i32) {
    %c0_i32 = arith.constant 0 : i32
    %c0_i32_0 = arith.constant 0 : i32
    return %arg0, %c0_i32 : i32, i32
  }
  func.func @transform_5(%arg0: i32) -> (i32, i32) {
    %c0_i32 = arith.constant 0 : i32
    %c0_i32_0 = arith.constant 0 : i32
    return %arg0, %c0_i32 : i32, i32
  }
  func.func @transform_6(%arg0: i32) -> (i32, i32) {
    %c0_i32 = arith.constant 0 : i32
    %c0_i32_0 = arith.constant 0 : i32
    return %arg0, %c0_i32 : i32, i32
  }
}

</mosaic_0001>

<sc_bundles>
// kernel: kernel.7.cloned.1.call-start
scs
__scs_entry_jumppad:
0x0: {  	(pc) =	sbr.rel $0x88, $3  }
0x1: {  	(tag) =	ssettag $0x0;
	lr =	simm.s32 $0x1  }
0x2: {  	[smem:$0x3F98] =	sst lr;
	_ =	strace $0xD0000000  }
0x3: {  	_ = 	snop  }
0x4: {  	_ = 	snop  }
0x5: {  	_ = 	snop  }
0x6: {  	_ = 	snop  }
0x7: {  	_ = 	snop  }
__scs_overlays_trampoline_lowered:
0x8: {  	[smem:$0x3FA7] =	sst s0  }
0x9: {  	[smem:$0x3FA8] =	sst s1  }
0xa: {  	[smem:$0x3FA9] =	sst s2  }
0xb: {  	[smem:$0x3FAA] =	sst s3  }
0xc: {  	[smem:$0x3FAB] =	sst s4  }
0xd: {  	[smem:$0x3FAC] =	sst s5  }
0xe: {  	[smem:$0x3FAD] =	sst s6  }
0xf: {  	[smem:$0x3FAE] =	sst s7  }
0x10: {  	[smem:$0x3FAF] =	sst s8  }
0x11: {  	[smem:$0x3FB0] =	sst s9;
	s0 =	simm.s32 @!p0 $0x0  }
0x12: {  	s1 =	sld [smem:$0x3F96];
	s0 =	simm.s32 @p0 $0x1  }
0x13: {  	[smem:$0x3FB1] =	sst s0;
	s0 =	simm.s32 @!p1 $0x0  }
0x14: {  	s2 =	sld [smem:$0x3F95];
	s0 =	simm.s32 @p1 $0x1  }
0x15: {  	[smem:$0x3FB2] =	sst s0;
	s0 =	simm.s32 @!p2 $0x0  }
0x16: {  	s3 =	sld [smem:$0x3FDB];
	s0 =	simm.s32 @p2 $0x1  }
0x17: {  	s4 =	simm.s32 $0x1BF5;
	[smem:$0x3FB4] =	sst s0  }
0x18: {  	s0 =	sld [smem:$0x3F97];
	_ =	swait.ge [sflag:s4], $0x0  }
0x19: {  	s7 =	sld [smem:$0x3F98]  }
0x1a: {  	s8 =	sadd.s32 $0xFFFFE003, lr  }
0x1b: {  	s9 =	sadd.s32 $0xFFFFFEF7, lr;
	s5 =	simm.s32 $0xFFFFFFFF;
	p2 =	slt.u32 s8, $0xFFFFF086  }
0x1c: {  	p1 =	slt.u32 s9, $0xF7A;
	s5 =	simm.s32 @!p2 $0x0  }
0x1d: {  	s5 =	simm.s32 @p1 $0x1;
	p0 =	seq.s32 s7, s2  }
0x1e: {  	s7 =	smul.u32 @!p0 $0xF7A, s2;
	p2 =	seq.s32 @!p0 s5, $0x0  }
0x1f: {  	s9 =	smul.u32 $0xF7A, s1;
	s8 =	simm.s32 @!p0 $0x1BF5;
	p2 =	por !p2, p0  }
0x20: {  	[sflag:s8] =	ssyncset.s32 @!p0 $0xFFFFF086;
	s6 =	sadd.s32 @!p0 s3, s7;
	s7 =	simm.s32 @!p0 $0x108  }
0x21: {  	s3 =	sadd.s32 s3, s9;
	s6 =	sadd.s32 @!p0 $0x88, s6;
	s7 =	simm.s32 @p2 $0x1082  }
0x22: {  	[simem:s7], [sflag:s8] =	dma.local @!p0 [hbm:s6], $0xF7A  }
0x23: {  	s9 =	sor.u32 $0xD0000000, s2;
	s6 =	simm.s32 $0x108;
	_ =	swait.ge @!p0 [sflag:s8], $0x0  }
0x24: {  	s3 =	sadd.s32 $0x88, s3;
	s6 =	simm.s32 @!p1 $0x1082;
	[sflag:s4] =	ssyncset.s32 $0xFFFFF086  }
0x25: {  	[simem:s6], [sflag:s4] =	dma.local [hbm:s3], $0xF7A  }
0x26: {  	[smem:$0x3F98] =	sst s1;
	(tag) =	ssettag s2;
	_ =	strace s9  }
0x27: {  	s1 =	sld [smem:$0x3FA8]  }
0x28: {  	s2 =	sld [smem:$0x3FA9]  }
0x29: {  	s4 =	sld [smem:$0x3FAB]  }
0x2a: {  	p0 =	seq.s32 s5, $0x0;
	s5 =	sld [smem:$0x3FAC]  }
0x2b: {  	s6 =	sld [smem:$0x3FAD]  }
0x2c: {  	s7 =	sld [smem:$0x3FAE]  }
0x2d: {  	s3 =	simm.s32 $0x108;
	s8 =	sld [smem:$0x3FAF]  }
0x2e: {  	s3 =	simm.s32 @!p0 $0x1082;
	s9 =	sld [smem:$0x3FB0]  }
0x2f: {  	lr =	sadd.s32 s0, s3;
	s0 =	sld [smem:$0x3FA7]  }
0x30: {  	s3 =	sld [smem:$0x3FAA]  }
0x31: {  	[smem:$0x3FB3] =	sst s10  }
0x32: {  	s10 =	sld [smem:$0x3FB1];
	_ =	sdelay $0x3  }
0x33: {  	p0 =	seq.s32 s10, $0x1;
	s10 =	sld [smem:$0x3FB3];
	_ =	sdelay $0x3  }
0x34: {  	[smem:$0x3FB3] =	sst s10  }
0x35: {  	s10 =	sld [smem:$0x3FB2];
	_ =	sdelay $0x3  }
0x36: {  	p1 =	seq.s32 s10, $0x1;
	s10 =	sld [smem:$0x3FB3];
	_ =	sdelay $0x3  }
0x37: {  	[smem:$0x3FB3] =	sst s10  }
0x38: {  	s10 =	sld [smem:$0x3FB4]  }
0x39: {  	_ = 	snop;
	(pc) =	sbr.ind lr, $3  }
0x3a: {  	_ = 	snop  }
0x3b: {  	_ = 	snop  }
0x3c: {  	p2 =	seq.s32 s10, $0x1;
	s10 =	sld [smem:$0x3FB3]  }
0x3d: {  	_ =	shalt  }
0x3e: {  	_ =	shalt  }
0x3f: {  	_ =	shalt  }
0x40: {  	_ =	shalt  }
0x41: {  	_ =	shalt  }
0x42: {  	_ =	shalt  }
0x43: {  	_ =	shalt  }
0x44: {  	_ =	shalt  }
0x45: {  	_ =	shalt  }
0x46: {  	_ =	shalt  }
0x47: {  	_ =	shalt  }
0x48: {  	_ =	shalt  }
0x49: {  	_ =	shalt  }
0x4a: {  	_ =	shalt  }
0x4b: {  	_ =	shalt  }
0x4c: {  	_ =	shalt  }
0x4d: {  	_ =	shalt  }
0x4e: {  	_ =	shalt  }
0x4f: {  	_ =	shalt  }
0x50: {  	_ =	shalt  }
0x51: {  	_ =	shalt  }
0x52: {  	_ =	shalt  }
0x53: {  	_ =	shalt  }
0x54: {  	_ =	shalt  }
0x55: {  	_ =	shalt  }
0x56: {  	_ =	shalt  }
0x57: {  	_ =	shalt  }
0x58: {  	_ =	shalt  }
0x59: {  	_ =	shalt  }
0x5a: {  	_ =	shalt  }
0x5b: {  	_ =	shalt  }
0x5c: {  	_ =	shalt  }
0x5d: {  	_ =	shalt  }
0x5e: {  	_ =	shalt  }
0x5f: {  	_ =	shalt  }
0x60: {  	_ =	shalt  }
0x61: {  	_ =	shalt  }
0x62: {  	_ =	shalt  }
0x63: {  	_ =	shalt  }
0x64: {  	_ =	shalt  }
0x65: {  	_ =	shalt  }
0x66: {  	_ =	shalt  }
0x67: {  	_ =	shalt  }
0x68: {  	_ =	shalt  }
0x69: {  	_ =	shalt  }
0x6a: {  	_ =	shalt  }
0x6b: {  	_ =	shalt  }
0x6c: {  	_ =	shalt  }
0x6d: {  	_ =	shalt  }
0x6e: {  	_ =	shalt  }
0x6f: {  	_ =	shalt  }
0x70: {  	_ =	shalt  }
0x71: {  	_ =	shalt  }
0x72: {  	_ =	shalt  }
0x73: {  	_ =	shalt  }
0x74: {  	_ =	shalt  }
0x75: {  	_ =	shalt  }
0x76: {  	_ =	shalt  }
0x77: {  	_ =	shalt  }
0x78: {  	_ =	shalt  }
0x79: {  	_ =	shalt  }
0x7a: {  	_ =	shalt  }
0x7b: {  	_ =	shalt  }
0x7c: {  	_ =	shalt  }
0x7d: {  	_ =	shalt  }
0x7e: {  	_ =	shalt  }
0x7f: {  	_ =	shalt  }
0x80: {  	_ =	shalt  }
0x81: {  	_ =	shalt  }
0x82: {  	_ =	shalt  }
0x83: {  	_ =	shalt  }
0x84: {  	_ =	shalt  }
0x85: {  	_ =	shalt  }
0x86: {  	_ =	shalt  }
0x87: {  	_ =	shalt  }
.Lfunc_end0:
.L_simem_size_0:
called_computation_lowered:
.L_overlay_start_0:
0x88: {  	s2 =	sld [smem:$0x3FD9]  }
0x89: {  	s3 =	sld [smem:$0x3FFE];
	_ =	sdelay $0x1  }
0x8a: {  	s1 =	srdreg.scid  }
0x8b: {  	s0 =	sand.u32 $0x1, s1  }
0x8c: {  	s16 =	sshll.u32 s0, $0xA;
	s2 =	sadd.s32 s3, s2  }
0x8d: {  	s2 =	sadd.s32 s2, s16  }
0x8e: {  	[smem:$0x3FBF] =	sst s2  }
0x8f: {  	_ = 	snop  }
0x90: {  	(tm) =	ssettm $0x1  }
0x91: {  	s17 =	sld [smem:$0x3FFB];
	_ =	sdelay $0x3  }
0x92: {  	_ =	strace s17  }
0x93: {  	s2 =	sld [smem:$0x3FFC];
	_ =	sdelay $0x3  }
0x94: {  	_ =	strace s2  }
0x95: {  	s2 =	sld [smem:$0x3FFD];
	_ =	sdelay $0x3  }
0x96: {  	_ =	strace s2  }
0x97: {  	_ =	strace $0x8FFFFFFF  }
0x98: {  	s18 =	sld [smem:$0x3FDB];
	_ =	sdelay $0x1  }
0x99: {  	s19 =	simm.s32 $_scs_section_size  }
0x9a: {  	s4 =	simm.s32 $_size__tile_overlayer_lowered;
	s5 =	simm.s32 $_tile_overlayer_lowered  }
0x9b: {  	s22 =	simm.s32 $0x1BFF;
	s21 =	sshll.u32 s5, $0x1;
	s2 =	sadd.s32 s19, s18  }
0x9c: {  	s6 =	simm.s32 $0x0;
	s20 =	sshll.u32 s4, $0x1;
	s4 =	sadd.s32 s21, s2  }
0x9d: {  	[timem:s6], [sflag:s22] =	dma.local [hbm:s4], s20  }
0x9e: {  	_ =	swait.ge [sflag:s22], s20  }
0x9f: {  	s3 =	ssub.s32 $0x0, s20;
	[sflag:s22] =	ssyncset.done $0x0  }
0xa0: {  	[sflag:s22] =	ssyncadd.s32 s3;
	_ =	sdelay $0x1  }
0xa1: {  	s23 =	simm.s32 $0x1B8B  }
0xa2: {  	_ =	swait.ge [sflag:s23], $0x1  }
0xa3: {  	[sflag:s23] =	ssyncset.done $0x0  }
0xa4: {  	s25 =	simm.s32 $0x1B8E;
	s24 =	sld [smem:$0x3FFE];
	[sflag:s23] =	ssyncadd.s32 $0xFFFFFFFF  }
0xa5: {  	s26 =	simm.s32 $execute0_lowered;
	[smem:$0x3FD2] =	sst s25  }
0xa6: {  	s4 =	sshll.u32 s26, $0x1;
	_ =	strace $0x80000046;
	[dreg:$0x1] =	wrdreg $0xFFFFFFFF  }
0xa7: {  	s28 =	simm.s32 $_size_execute0_lowered;
	s2 =	sadd.s32 s2, s4;
	[dreg:$0x0] =	wrdreg $0x0  }
0xa8: {  	s4 =	sshll.u32 s28, $0x1;
	[dreg:$0x2] =	wrdreg s2  }
0xa9: {  	[dreg:$0x3] =	wrdreg s4  }
0xaa: {  	[dreg:$0x4] =	wrdreg $0xC0  }
0xab: {  	_ =	task [dreg:s6], $0x5FFFF  }
0xac: {  	[dreg:$0x1] =	wrdreg $0xFFFFFFFF  }
0xad: {  	[dreg:$0x0] =	wrdreg $0x60  }
0xae: {  	[dreg:$0x2] =	wrdreg s24  }
0xaf: {  	[dreg:$0x3] =	wrdreg $0x9  }
0xb0: {  	_ =	task.clear_ibuf [dreg:s6], $0x4FFFF;
	_ =	strace $0x90000046  }
0xb1: {  	s29 =	simm.s32 $0x9;
	_ =	strace $0x80000048  }
0xb2: {  	_ =	swait.ge [sflag:s29], $0x1  }
0xb3: {  	[sflag:s29] =	ssyncadd.s32 $0xFFFFFFFF  }
0xb4: {  	_ =	strace $0x90000048  }
0xb5: {  	_ =	sfence  }
0xb6: {  	s30 =	sld [smem:$0x0];
	_ =	sdelay $0x2  }
0xb7: {  	s31 =	sshll.u32 s1, $0xD;
	s1 =	sshrl.u32 s1, $0x2  }
0xb8: {  	s3 =	sand.u32 $0x4000, s31;
	s1 =	sadd.s32 s1, s30  }
0xb9: {  	s0 =	sor.u32 s3, s0;
	s1 =	sshll.u32 s1, $0x11  }
0xba: {  	s0 =	sor.u32 s1, s0  }
0xbb: {  	s0 =	sadd.s32 $0x8F2B, s0  }
0xbc: {  	[sflag:s0] =	ssyncadd.remote.s32 $0x1  }
0xbd: {  	_ =	sfence.sel $0xFFFF  }
0xbe: {  	[dreg:$0x0] =	wrdreg $0xFFFFFFFF;
	(pc) =	sbr.abs _section_cstart, $3  }
0xbf: {  	[dreg:$0x1] =	wrdreg $0xFFFFFFFF  }
0xc0: {  	_ =	task.clear_ibuf [dreg:s6], $0x2FFFF;
	_ =	strace $0x9FFFFFFF  }
0xc1: {  	(tm) =	ssettm $0x7FFFFFFF  }
tec
execute0_lowered:
.L_overlay_start_1:
0x0: {  	(tag) =	ssettag $0x1  }
0x1: {  	s3 =	rddreg [dreg:$0x0]  }
0x2: {  	s0 =	rddreg [dreg:$0x1]  }
0x3: {  	s1 =	simm.s32 $0x0;
	s4 =	srdreg.scid;
	s10 =	simm.s32 $0x400  }
0x4: {  	s11 =	simm.s32 $0x1;
	s12 =	simm.s32 $0x3000;
	s13 =	simm.s32 $0x3800  }
0x5: {  	s14 =	simm.s32 $0x4000;
	s15 =	simm.s32 $0x0;
	[smem:$0x7FF] =	sst s1  }
0x6: {  	s2 =	sadd.s32 $0x3400, s3;
	s7 =	sand.u32 $0x1, s4;
	s4 =	sadd.s32 $0x603400, s3  }
0x7: {  	v0 =	vlaneseq.u32;
	s5 =	sadd.s32 $0x703400, s3;
	s6 =	sadd.s32 $0x803400, s3;
	s8 =	ssub.s32 $0x2, s7  }
0x8: {  	s3 =	stileid.u32;
	v0 =	vmul.u32 $0x6, v0;
	_ =	strace $0x80000047;
	s9 =	sshrl.u32 s8, $0x1  }
0x9: {  	s31 =	sshll.u32 s3, $0x8;
	s7 =	sshll.u32 s7, $0x7;
	s8 =	ssub.s32 s8, s9  }
0xa: {  	s7 =	sor.u32 s7, s31;
	v1 =	vor.u32 $0x1, v0;
	v2 =	vadd.s32 $0x2, v0;
	s9 =	simm.s32 $0x80;
	s8 =	smax.u32 s8, $0x1  }
.LBB2_1:
0xb: {  	s16 =	simm.s32 $0x0  }
.LBB2_2:
0xc: {  	s17 =	sadd.s32 s7, s16  }
0xd: {  	s17 =	sshrl.u32 s17, $0x3  }
0xe: {  	s18 =	sshll.u32 s16, $0x7;
	s19 =	smul.u32 $0x18000, s17  }
0xf: {  	s18 =	sand.u32 $0x380, s18  }
0x10: {  	s19 =	sor.u32 s18, s19  }
0x11: {  	s20 =	simm.s32 $0x0;
	s19 =	sshrl.u32 s19, $0x3  }
0x12: {  	v3 =	vadd.s32 s20, v0;
	s19 =	sadd.s32 s2, s19  }
0x13: {  	[tilespmem:s20], [sflag:$0x1] =	stream.strided.gather [hbm4b:s19+s9], $0x3000, s10, s9, $0x38;
	[tilespmem:$0x4800] =	vst v63  }
0x14: {  	_ =	swait.ge [sflag:s11], $0x3000  }
0x15: {  	[sflag:s11] =	ssyncset.done $0x0  }
0x16: {  	[sflag:s11] =	ssyncadd.s32 $0xFFFFD000  }
0x17: {  	v3 =	vld.idx.msk [tilespmem:v3+s1+$0x0], $0xffff;
	_ =	sdelay $0x4  }
0x18: {  	v3 =	vtrunc.f32 v3  }
0x19: {  	v3 =	vcvt.f32.s32 v3;
	_ =	sdelay $0x1  }
0x1a: {  	v3 =	vmul.u32 $0x6, v3;
	_ =	sdelay $0x1  }
0x1b: {  	v3 =	vadd.s32 $0x2, v3  }
0x1c: {  	v4 =	vadd.s32 s20, v1  }
0x1d: {  	v5 =	vadd.s32 s20, v2;
	_ =	sdelay $0x2  }
0x1e: {  	v3 =	vld.idx.msk [tilespmem:v3+s1+$0x0], $0xffff  }
0x1f: {  	v4 =	vld.idx.msk [tilespmem:v4+s1+$0x0], $0xffff  }
0x20: {  	s29 =	simm.s32 $0x60;
	v5 =	vld.idx.msk [tilespmem:v5+s1+$0x0], $0xffff  }
0x21: {  	v6 =	vadd.s32 s29, v0  }
0x22: {  	s30 =	simm.s32 $0x3000  }
0x23: {  	s21 =	simm.s32 $0x3800;
	[tilespmem:s30+$0x0] =	vst v3  }
0x24: {  	s19 =	simm.s32 $0x4000;
	[tilespmem:s21+$0x0] =	vst v4  }
0x25: {  	[tilespmem:s19+$0x0] =	vst v5  }
0x26: {  	v3 =	vld.idx.msk [tilespmem:v6+s1+$0x0], $0xffff;
	_ =	sdelay $0x4  }
0x27: {  	v3 =	vtrunc.f32 v3  }
0x28: {  	v3 =	vcvt.f32.s32 v3;
	_ =	sdelay $0x1  }
0x29: {  	v3 =	vmul.u32 $0x6, v3;
	_ =	sdelay $0x1  }
0x2a: {  	v3 =	vadd.s32 $0x2, v3  }
0x2b: {  	v4 =	vadd.s32 s29, v2  }
0x2c: {  	v5 =	vadd.s32 s29, v1;
	_ =	sdelay $0x2  }
0x2d: {  	v8 =	vld.idx.msk [tilespmem:v3+s1+$0x0], $0xffff  }
0x2e: {  	v3 =	vld.idx.msk [tilespmem:v4+s1+$0x0], $0xffff  }
0x2f: {  	v4 =	vld.idx.msk [tilespmem:v5+s1+$0x0], $0xffff  }
0x30: {  	s31 =	simm.s32 $0xC0  }
0x31: {  	v7 =	vadd.s32 s31, v0  }
0x32: {  	s20 =	simm.s32 $0x3010;
	v5 =	vadd.s32 s31, v2  }
0x33: {  	s22 =	simm.s32 $0x120;
	s21 =	simm.s32 $0x3810;
	v6 =	vadd.s32 s31, v1;
	[tilespmem:s20+$0x0] =	vst v8  }
.LBB2_3:
0x34: {  	p0 =	sne.s32 s22, $0x2FA0;
	[tilespmem:s21+$0x0] =	vst v4;
	s19 =	sadd.s32 $0x10, s19  }
0x35: {  	[tilespmem:s19+$0x0] =	vst v3  }
0x36: {  	v7 =	vld.idx.msk [tilespmem:v7+s1+$0x0], $0xffff  }
0x37: {  	v3 =	vld.idx.msk [tilespmem:v5+s1+$0x0], $0xffff  }
0x38: {  	v4 =	vld.idx.msk [tilespmem:v6+s1+$0x0], $0xffff;
	_ =	sdelay $0x3  }
0x39: {  	v5 =	vtrunc.f32 v7  }
0x3a: {  	v5 =	vcvt.f32.s32 v5;
	_ =	sdelay $0x1  }
0x3b: {  	v5 =	vmul.u32 $0x6, v5;
	_ =	sdelay $0x1  }
0x3c: {  	v5 =	vadd.s32 $0x2, v5;
	_ =	sdelay $0x4  }
0x3d: {  	v8 =	vld.idx.msk [tilespmem:v5+s1+$0x0], $0xffff;
	_ =	sdelay $0x1  }
.Ltmp0:
0x3e: {  	(pc) =	sbr.rel @p0 .LBB2_3-.Ltmp0, $4  }
0x3f: {  	_ = 	snop  }
0x40: {  	v7 =	vadd.s32 s22, v0  }
0x41: {  	s20 =	sadd.s32 $0x10, s20;
	v5 =	vadd.s32 s22, v2  }
0x42: {  	s21 =	sadd.s32 $0x10, s21;
	v6 =	vadd.s32 s22, v1;
	s22 =	sadd.s32 $0x60, s22;
	[tilespmem:s20+$0x0] =	vst v8  }
0x43: {  	_ =	sdelay $0x1  }
0x44: {  	[tilespmem:s21+$0x0] =	vst v4;
	s19 =	sadd.s32 $0x10, s19  }
0x45: {  	[tilespmem:s19+$0x0] =	vst v3  }
0x46: {  	v3 =	vld.idx.msk [tilespmem:v7+s1+$0x0], $0xffff;
	_ =	sdelay $0x4  }
0x47: {  	v3 =	vtrunc.f32 v3  }
0x48: {  	v3 =	vcvt.f32.s32 v3;
	_ =	sdelay $0x1  }
0x49: {  	v3 =	vmul.u32 $0x6, v3;
	_ =	sdelay $0x1  }
0x4a: {  	v3 =	vadd.s32 $0x2, v3;
	_ =	sdelay $0x4  }
0x4b: {  	v3 =	vld.idx.msk [tilespmem:v3+s1+$0x0], $0xffff  }
0x4c: {  	v4 =	vld.idx.msk [tilespmem:v6+s1+$0x0], $0xffff  }
0x4d: {  	v5 =	vld.idx.msk [tilespmem:v5+s1+$0x0], $0xffff;
	_ =	sdelay $0x1  }
0x4e: {  	s20 =	sadd.s32 $0x10, s20;
	s17 =	sshll.u32 s17, $0xE  }
0x4f: {  	s28 =	sadd.s32 $0x10, s21;
	s17 =	sor.u32 s18, s17;
	[tilespmem:s20+$0x0] =	vst v3  }
0x50: {  	s29 =	sadd.s32 $0x10, s19;
	s17 =	sshrl.u32 s17, $0x3;
	[tilespmem:s28+$0x0] =	vst v4  }
0x51: {  	s30 =	sadd.s32 s4, s17;
	[tilespmem:s29+$0x0] =	vst v5  }
0x52: {  	[hbm4b:s30+s9] =	stream.strided.scatter [tilespmem:s12], [sflag:$0x1], $0x800, s10, s9, $0x38;
	[tilespmem:$0x4800] =	vst v63  }
0x53: {  	_ =	swait.ge [sflag:s11], $0x800  }
0x54: {  	[sflag:s11] =	ssyncset.done $0x0  }
0x55: {  	s31 =	sadd.s32 s5, s17;
	[sflag:s11] =	ssyncadd.s32 $0xFFFFF800  }
0x56: {  	[hbm4b:s31+s9] =	stream.strided.scatter [tilespmem:s13], [sflag:$0x1], $0x800, s10, s9, $0x38;
	[tilespmem:$0x4800] =	vst v63  }
0x57: {  	s16 =	sadd.s32 $0x1, s16;
	_ =	swait.ge [sflag:s11], $0x800  }
0x58: {  	p0 =	sne.s32 s16, $0x80;
	[sflag:s11] =	ssyncset.done $0x0  }
.Ltmp1:
0x59: {  	s17 =	sadd.s32 s6, s17;
	[sflag:s11] =	ssyncadd.s32 $0xFFFFF800;
	(pc) =	sbr.rel @p0 .LBB2_2-.Ltmp1, $4  }
0x5a: {  	[hbm4b:s17+s9] =	stream.strided.scatter [tilespmem:s14], [sflag:$0x1], $0x800, s10, s9, $0x38;
	[tilespmem:$0x4800] =	vst v63  }
0x5b: {  	_ =	swait.ge [sflag:s11], $0x800  }
0x5c: {  	[sflag:s11] =	ssyncset.done $0x0  }
0x5d: {  	[sflag:s11] =	ssyncadd.s32 $0xFFFFF800  }
0x5e: {  	s15 =	sadd.s32 $0x1, s15  }
0x5f: {  	p0 =	sne.s32 s15, s8  }
.Ltmp2:
0x60: {  	_ = 	snop;
	(pc) =	sbr.rel @p0 .LBB2_1-.Ltmp2, $1  }
0x61: {  	_ =	sdelay $0x3  }
0x62: {  	_ =	sfence.sel $0x180000  }
0x63: {  	[bflag:$0x0] =	sbarrier.arrive $0xFFFF  }
0x64: {  	p0 =	sne.s32 s3, $0x0;
	_ =	strace $0x90000047  }
0x65: {  	s0 =	sadd.s32 @!p0 $0x100000, s0;
	[bflag:$0x2] =	sbarrier.arrive $0xFFFF  }
0x66: {  	[sflag:s0] =	ssyncadd.tile.s32 @!p0 $0x1;
	_ =	shalt  }
.Lfunc_end2:
_tile_overlayer_lowered:
.L_overlay_start_2:
0x67: {  	(tag) =	ssettag $0x2  }
0x68: {  	s0 =	rddreg [dreg:$0x0];
	s2 =	stileid.u32  }
0x69: {  	s1 =	rddreg [dreg:$0x1];
	p0 =	sne.s32 s2, $0x0  }
0x6a: {  	s3 =	rddreg [dreg:$0x2];
	[bflag:$0x3] =	sbarrier.arrive $0xFFFF;
	s2 =	simm.s32 @!p0 $0x1C01  }
0x6b: {  	[timem:s3], [sflag:s2] =	dma.local @!p0 [hbm:s0], s1  }
0x6c: {  	s0 =	simm.s32 @!p0 $0x1  }
0x6d: {  	_ =	swait.ge @!p0 [sflag:s0], s1  }
0x6e: {  	s1 =	ssub.s32 @!p0 $0x0, s1;
	[sflag:s0] =	ssyncset.done @!p0 $0x0  }
0x6f: {  	[sflag:s0] =	ssyncadd.s32 @!p0 s1  }
0x70: {  	[bflag:$0x3] =	sbarrier.arrive $0xFFFF  }
0x71: {  	_ =	shalt  }

</sc_bundles>
